<compile_context>
chip_gen: v7x
topology: tpu7x:2x2x1
jax: 0.10.2.dev20260603
libtpu: 0.0.44.dev20260713+nightly
codegen_flags: <defaults>
</compile_context>

<pallas_src>
import functools

import jax
import jax.numpy as jnp
from jax import lax
from jax.experimental import pallas as pl
from jax.experimental.pallas import tpu as pltpu
from jax.experimental.pallas import tpu_sc as plsc

B, N, H, W = 2, 6, 256, 704
DS = 16
DSH, DSW = H // DS, W // DS
D, C_FEAT = 60, 64
X_DIM, Y_DIM, Z_DIM = 200, 200, 1
HW = DSH * DSW
BN = B * N
NSEG = X_DIM * Y_DIM


def _frustum():
    depth = jnp.arange(1.0, 61.0, 1.0, dtype=jnp.float32)
    depth = jnp.broadcast_to(depth[:, None, None], (D, DSH, DSW))
    xg = jnp.linspace(0.0, W - 1.0, DSW, dtype=jnp.float32)
    xg = jnp.broadcast_to(xg[None, None, :], (D, DSH, DSW))
    yg = jnp.linspace(0.0, H - 1.0, DSH, dtype=jnp.float32)
    yg = jnp.broadcast_to(yg[None, :, None], (D, DSH, DSW))
    return jnp.stack((xg, yg, depth), -1)


def _enc_body(img_ref, wenc_ref, benc_ref, geom_ref,
              depth_ref, feat_ref, w_ref, rank_ref):
    img = img_ref[0]

    rHt = lax.broadcasted_iota(jnp.int32, (DSH, H), 0)
    cHt = lax.broadcasted_iota(jnp.int32, (DSH, H), 1) // DS
    PhT = jnp.where(rHt == cHt, 1.0 / DS, 0.0).astype(jnp.float32)
    rW = lax.broadcasted_iota(jnp.int32, (W, DSW), 0) // DS
    cW = lax.broadcasted_iota(jnp.int32, (W, DSW), 1)
    Pw = jnp.where(rW == cW, 1.0 / DS, 0.0).astype(jnp.float32)

    a = jnp.dot(img.reshape(3 * H, W), Pw,
                preferred_element_type=jnp.float32)
    pooled_rows = []
    for c in range(3):
        ac = a[c * H:(c + 1) * H, :]
        pc = jnp.dot(PhT, ac, preferred_element_type=jnp.float32)
        pooled_rows.append(pc)
    pooled = jnp.stack(pooled_rows, axis=0)

    wenc = wenc_ref[...]
    logits = (wenc[:, 0][:, None, None] * pooled[0][None]
              + wenc[:, 1][:, None, None] * pooled[1][None]
              + wenc[:, 2][:, None, None] * pooled[2][None])
    benc = benc_ref[...]
    logits = logits + benc[:, :, None]

    ls = logits[:D]
    m = jnp.max(ls, axis=0, keepdims=True)
    e = jnp.exp(ls - m)
    s = jnp.sum(e, axis=0, keepdims=True)
    depth = e / s
    feat = logits[D:]

    g = geom_ref[0]
    vx = ((g[0] - (-50.25)) / 0.5).astype(jnp.int32)
    vy = ((g[1] - (-50.25)) / 0.5).astype(jnp.int32)
    vz = ((g[2] - (-20.0)) / 20.0).astype(jnp.int32)
    mask = ((vx >= 0) & (vx < X_DIM) & (vy >= 0) & (vy < Y_DIM)
            & (vz >= 0) & (vz < Z_DIM))
    rank = vx * (Y_DIM * Z_DIM) + vy * Z_DIM + vz
    rank = jnp.where(mask, rank, 0)

    depth_ref[0] = depth
    feat_ref[0] = feat
    w_ref[0] = depth * mask.astype(jnp.float32)
    rank_ref[0] = rank


def _encode(image, W_enc, b_enc, geom_t):
    img = image.reshape(BN, 3, H, W)
    benc2 = b_enc.reshape(D + C_FEAT, 1)
    return pl.pallas_call(
        _enc_body,
        grid=(BN,),
        in_specs=[
            pl.BlockSpec((1, 3, H, W), lambda i: (i, 0, 0, 0)),
            pl.BlockSpec((D + C_FEAT, 3), lambda i: (0, 0)),
            pl.BlockSpec((D + C_FEAT, 1), lambda i: (0, 0)),
            pl.BlockSpec((1, 3, D, DSH, DSW), lambda i: (i, 0, 0, 0, 0)),
        ],
        out_specs=[
            pl.BlockSpec((1, D, DSH, DSW), lambda i: (i, 0, 0, 0)),
            pl.BlockSpec((1, C_FEAT, DSH, DSW), lambda i: (i, 0, 0, 0)),
            pl.BlockSpec((1, D, DSH, DSW), lambda i: (i, 0, 0, 0)),
            pl.BlockSpec((1, D, DSH, DSW), lambda i: (i, 0, 0, 0)),
        ],
        out_shape=[
            jax.ShapeDtypeStruct((BN, D, DSH, DSW), jnp.float32),
            jax.ShapeDtypeStruct((BN, C_FEAT, DSH, DSW), jnp.float32),
            jax.ShapeDtypeStruct((BN, D, DSH, DSW), jnp.float32),
            jax.ShapeDtypeStruct((BN, D, DSH, DSW), jnp.int32),
        ],
    )(img, W_enc, benc2, geom_t)


NTILE = 16
PIX_T = HW * N // NTILE
PTS_T_RAW = PIX_T * D
BLKP = 128
NBLK = (PTS_T_RAW + BLKP - 1) // BLKP
NPASS = 2
CH = C_FEAT // NPASS
ROWS_T = 2512
VROWS = NTILE * ROWS_T
OUT_ROWS = 320

ROWS_PTS = 128
PTS_PAD = ROWS_PTS * 128
OFF_RW = 0
OFF_PIX = OFF_RW + B * NTILE * ROWS_PTS
ROWS_FPT = 72
OFF_FEAT = OFF_PIX + ROWS_PTS
BLOB_ROWS = OFF_FEAT + B * NPASS * NTILE * ROWS_FPT
W_DESCALE = 1.0 / (65535.0 * float(2 ** 20))


def _sc_scatter_body(blob_hbm, zeros_hbm, out_hbm,
                     feat_v, rw_v, pix_v, idx_v, rows_v,
                     grid_sh):
    b = lax.axis_index("c")
    s = lax.axis_index("s")

    pltpu.sync_copy(blob_hbm.at[pl.ds(OFF_PIX, ROWS_PTS)], pix_v)
    pltpu.sync_copy(blob_hbm.at[pl.ds(OFF_RW + (b * NTILE + s) * ROWS_PTS,
                                      ROWS_PTS)], rw_v)

    def pass_body(p, _):
        pltpu.sync_copy(zeros_hbm, grid_sh.at[pl.ds(s * ROWS_T, ROWS_T)])
        pltpu.sync_copy(
            blob_hbm.at[pl.ds(OFF_FEAT + ((b * NPASS + p) * NTILE + s)
                              * ROWS_FPT, ROWS_FPT)], feat_v)
        plsc.subcore_barrier()

        def blk_body(blk, _):
            def grp_body(g, _):
                q16 = g * 16
                pvec = rw_v[blk, pl.ds(q16, 16)]
                idx_v[0, pl.ds(q16, 16)] = lax.shift_right_logical(pvec, 16)
                pixvec = pix_v[blk, pl.ds(q16, 16)]
                for l in range(16):
                    wl = ((pvec[l] & 0xFFFF).astype(jnp.float32) * W_DESCALE)
                    pixl = pixvec[l]
                    fr = lax.shift_right_logical(pixl, 2)
                    fc = (pixl & 3) * CH
                    for j in range(CH // 16):
                        fvec = (feat_v[fr, pl.ds(fc + 16 * j, 16)]
                                .astype(jnp.float32))
                        rows_v[g * 16 + l, 16 * j:16 * (j + 1)] = wl * fvec
                return 0
            lax.fori_loop(0, BLKP // 16, grp_body, 0)
            pltpu.sync_copy(rows_v, grid_sh.at[idx_v.at[0]], add=True)
            return 0
        lax.fori_loop(0, NBLK, blk_body, 0)
        plsc.subcore_barrier()

        pltpu.sync_copy(grid_sh.at[pl.ds(s * ROWS_T, ROWS_T)],
                        out_hbm.at[b, p, pl.ds(s * ROWS_T, ROWS_T)])
        plsc.subcore_barrier()
        return 0

    lax.fori_loop(0, NPASS, pass_body, 0)


def _sc_scatter(blob):
    mesh = plsc.VectorSubcoreMesh(core_axis_name="c", subcore_axis_name="s")
    f = pl.kernel(
        _sc_scatter_body, mesh=mesh,
        compiler_params=pltpu.CompilerParams(use_tc_tiling_on_sc=False),
        out_type=jax.ShapeDtypeStruct((B, NPASS, VROWS, CH), jnp.float32),
        scratch_types=[
            pltpu.VMEM((ROWS_FPT, 128), jnp.int32),
            pltpu.VMEM((ROWS_PTS, 128), jnp.int32),
            pltpu.VMEM((ROWS_PTS, 128), jnp.int32),
            pltpu.VMEM((1, 128), jnp.int32),
            pltpu.VMEM((BLKP, CH), jnp.float32),
            pltpu.VMEM_SHARED((VROWS, CH), jnp.float32),
        ],
    )
    return f(blob, jnp.zeros((ROWS_T, CH), jnp.float32))


def kernel(image, post_tran, post_rot, intrinsic, extrinsic, W_enc, b_enc):
    frustum = _frustum()
    ext_inv = jnp.linalg.inv(extrinsic)
    rotation = ext_inv[..., :3, :3]
    translation = ext_inv[..., :3, 3]
    points = frustum[None, None] - post_tran[:, :, None, None, None, :]
    points = jnp.einsum('bnij,bndhwj->bndhwi', jnp.linalg.inv(post_rot), points)
    points = jnp.concatenate((points[..., :2] * points[..., 2:3], points[..., 2:3]), axis=-1)
    combine = jnp.einsum('bnij,bnjk->bnik', rotation, jnp.linalg.inv(intrinsic))
    points = jnp.einsum('bnij,bndhwj->bndhwi', combine, points)
    geom = points + translation[:, :, None, None, None, :]

    geom_t = geom.reshape(BN, D, DSH, DSW, 3).transpose(0, 4, 1, 2, 3)

    depth, feat, w, rank = _encode(image, W_enc, b_enc, geom_t)

    depth_out = depth.reshape(B, N, D, DSH, DSW)

    npix = N * HW
    w_pm = w.reshape(B, N, D, HW).transpose(0, 1, 3, 2).reshape(B, npix * D)
    r_pm = rank.reshape(B, N, D, HW).transpose(0, 1, 3, 2).reshape(B, npix * D)
    w16 = jnp.round(w_pm * 65535.0).astype(jnp.uint32)
    packed = (r_pm.astype(jnp.uint32) << 16) | w16
    packed = jnp.pad(packed.reshape(B, NTILE, PTS_T_RAW),
                     ((0, 0), (0, 0), (0, PTS_PAD - PTS_T_RAW)),
                     constant_values=jnp.uint32((VROWS - 1) << 16))
    pix_map = jnp.minimum(jnp.arange(PTS_PAD, dtype=jnp.int32) // D, PIX_T - 1)
    feat_sc = (feat.reshape(B, N, C_FEAT, HW).transpose(0, 1, 3, 2)
               .reshape(B, npix, NPASS, CH).transpose(0, 2, 1, 3)
               .reshape(B, NPASS, NTILE, PIX_T * CH))
    feat_sc = jnp.pad(feat_sc,
                      ((0, 0), (0, 0), (0, 0), (0, ROWS_FPT * 128 - PIX_T * CH)))

    blob = jnp.concatenate([
        lax.bitcast_convert_type(packed, jnp.int32).reshape(-1),
        pix_map,
        (feat_sc * (2.0 ** 20)).astype(jnp.int32).reshape(-1),
    ]).reshape(BLOB_ROWS, 128)

    grid = _sc_scatter(blob)
    flat = grid.transpose(0, 2, 1, 3).reshape(B, VROWS, C_FEAT)[:, :NSEG]
    output = flat.reshape(B, X_DIM, Y_DIM, C_FEAT).transpose(0, 3, 1, 2)
    return output, depth_out

# --- scband reference (transcript-rebuilt; emitter-appended) ---
"""Pipeline reference for scband-bev-model-73065983640184 (READ-ONLY COPY).

The authoritative reference and input builder live on the scoring server;
editing this copy changes nothing except your own understanding.
"""

import jax, jax.numpy as jnp
import numpy as np

B, N, H, W = 2, 6, 256, 704
DS = 16
DSH, DSW = H // DS, W // DS
D = 60
C_FEAT = 64
X_DIM, Y_DIM, Z_DIM = 200, 200, 1


def _frustum():
    depth = jnp.arange(1.0, 61.0, 1.0, dtype=jnp.float32)
    depth = jnp.broadcast_to(depth[:, None, None], (D, DSH, DSW))
    xg = jnp.linspace(0.0, W - 1.0, DSW, dtype=jnp.float32)
    xg = jnp.broadcast_to(xg[None, None, :], (D, DSH, DSW))
    yg = jnp.linspace(0.0, H - 1.0, DSH, dtype=jnp.float32)
    yg = jnp.broadcast_to(yg[None, :, None], (D, DSH, DSW))
    return jnp.stack((xg, yg, depth), -1)


def setup_inputs(seed: int = 0):
    key = jax.random.key(seed)
    k1, k2, k3 = jax.random.split(key, 3)
    image = jax.random.normal(k1, (B, N, 3, H, W), dtype=jnp.float32)
    post_tran = jnp.zeros((B, N, 3), dtype=jnp.float32)
    post_rot = jnp.tile(jnp.eye(3, dtype=jnp.float32), (B, N, 1, 1))
    K = np.array([[500.0, 0.0, 352.0], [0.0, 500.0, 128.0], [0.0, 0.0, 1.0]], dtype=np.float32)
    intrinsic = jnp.asarray(np.tile(K, (B, N, 1, 1)))
    base = np.array([[0.0, 0.0, 1.0], [-1.0, 0.0, 0.0], [0.0, -1.0, 0.0]], dtype=np.float64)
    exts = np.zeros((B, N, 4, 4), dtype=np.float64)
    for n in range(N):
        yaw = 2.0 * np.pi * n / N
        Rz = np.array([[np.cos(yaw), -np.sin(yaw), 0.0], [np.sin(yaw), np.cos(yaw), 0.0], [0.0, 0.0, 1.0]])
        R_ec = Rz @ base
        T = np.eye(4)
        T[:3, :3] = R_ec
        T[:3, 3] = np.array([1.5 * np.cos(yaw), 1.5 * np.sin(yaw), 1.6])
        exts[:, n] = np.linalg.inv(T)[None]
    extrinsic = jnp.asarray(exts.astype(np.float32))
    W_enc = 0.1 * jax.random.normal(k2, (D + C_FEAT, 3), dtype=jnp.float32)
    b_enc = 0.01 * jax.random.normal(k3, (D + C_FEAT,), dtype=jnp.float32)
    return {"image": image, "post_tran": post_tran, "post_rot": post_rot, "intrinsic": intrinsic, "extrinsic": extrinsic, "W_enc": W_enc, "b_enc": b_enc}


def _forward(image, post_tran, post_rot, intrinsic, extrinsic, W_enc, b_enc):
    frustum = _frustum()
    # get_geometry
    ext_inv = jnp.linalg.inv(extrinsic)
    rotation = ext_inv[..., :3, :3]
    translation = ext_inv[..., :3, 3]
    points = frustum[None, None] - post_tran[:, :, None, None, None, :]
    points = jnp.einsum('bnij,bndhwj->bndhwi', jnp.linalg.inv(post_rot), points)
    points = jnp.concatenate((points[..., :2] * points[..., 2:3], points[..., 2:3]), axis=-1)
    combine = jnp.einsum('bnij,bnjk->bnik', rotation, jnp.linalg.inv(intrinsic))
    points = jnp.einsum('bnij,bndhwj->bndhwi', combine, points)
    geom = points + translation[:, :, None, None, None, :]
    # cam encoder (LSS-style: depth distribution outer-product with features)
    imgs = image.reshape(B * N, 3, H, W)
    pooled = imgs.reshape(B * N, 3, DSH, DS, DSW, DS).mean(axis=(3, 5))
    logits = jnp.einsum('oc,bchw->bohw', W_enc, pooled) + b_enc[None, :, None, None]
    depth = jax.nn.softmax(logits[:, :D], axis=1)
    feat = logits[:, D:]
    feature = depth[:, None, :, :, :] * feat[:, :, None, :, :]
    feature = feature.reshape(B, N, C_FEAT, D, DSH, DSW).transpose(0, 1, 3, 4, 5, 2)
    depth = depth.reshape(B, N, D, DSH, DSW)
    # proj_bev_feature: voxel-sum scatter onto BEV grid
    bev_res = jnp.array([0.5, 0.5, 20.0], dtype=jnp.float32)
    bev_start = jnp.array([-50.0, -50.0, -10.0], dtype=jnp.float32)
    outs = []
    for b in range(B):
        x_b = feature[b].reshape(-1, C_FEAT)
        g = jax.lax.stop_gradient(((geom[b] - (bev_start - bev_res / 2.0)) / bev_res).reshape(-1, 3).astype(jnp.int32))
        mask = (g[:, 0] >= 0) & (g[:, 0] < X_DIM) & (g[:, 1] >= 0) & (g[:, 1] < Y_DIM) & (g[:, 2] >= 0) & (g[:, 2] < Z_DIM)
        ranks = g[:, 0] * (Y_DIM * Z_DIM) + g[:, 1] * Z_DIM + g[:, 2]
        ranks = jnp.where(mask, ranks, 0)
        x_m = x_b * mask[:, None].astype(x_b.dtype)
        flat = jax.ops.segment_sum(x_m, ranks, num_segments=X_DIM * Y_DIM)
        bev = flat.reshape(X_DIM, Y_DIM, C_FEAT).transpose(2, 0, 1)
        outs.append(bev)
    output = jnp.stack(outs, axis=0)
    return output, depth


def reference(image, post_tran, post_rot, intrinsic, extrinsic, W_enc, b_enc):
    return _forward(image, post_tran, post_rot, intrinsic, extrinsic, W_enc, b_enc)

if __name__ == "__main__":
    import jax
    _d = setup_inputs()
    print(jax.jit(kernel)(*tuple(_d.values())))

</pallas_src>

<mosaic_0001>
#map = affine_map<(d0, d1) -> (0, 0)>
#map1 = affine_map<(d0, d1) -> (0, 0, 0, 0)>
module attributes {stable_mosaic.version = 14 : i64} {
  func.func @_sc_scatter_body(%arg0: i32, %arg1: i32, %arg2: memref<8832x128xi32, #tpu.memory_space<hbm>>, %arg3: memref<2512x32xf32, #tpu.memory_space<hbm>>, %arg4: memref<2x2x40192x32xf32, #tpu.memory_space<hbm>>, %arg5: memref<72x128xi32, #tpu.memory_space<vmem>>, %arg6: memref<128x128xi32, #tpu.memory_space<vmem>>, %arg7: memref<128x128xi32, #tpu.memory_space<vmem>>, %arg8: memref<1x128xi32, #tpu.memory_space<vmem>>, %arg9: memref<128x32xf32, #tpu.memory_space<vmem>>, %arg10: memref<40192x32xf32, #tpu.memory_space<vmem_shared>>) attributes {dimension_semantics = [#tpu.dimension_semantics<core_parallel>, #tpu.dimension_semantics<subcore_parallel>], iteration_bounds = array<i64: 2, 16>, scalar_prefetch = 0 : i64, scratch_operands = 6 : i64, tpu.core_type = #tpu.core_type<sc_vector_subcore>, window_params = [{transform_indices = #map}, {transform_indices = #map}, {transform_indices = #map1}]} {
    "tpu.region"() ({
      %run_scoped3A = tpu.sem_alloc : memref<!tpu.dma_semaphore, #tpu.memory_space<semaphore_mem>>
      %dma_start3A = arith.constant 4096 : i32
      %dma_start3A_11 = arith.constant 0 : i32
      %dma_start3A_12 = tpu.memref_slice %arg2[%dma_start3A, %dma_start3A_11] : memref<8832x128xi32, #tpu.memory_space<hbm>> -> memref<128x128xi32, #tpu.memory_space<hbm>>
      %dma_start3A_13 = arith.constant 4096 : i32
      %dma_start3A_14 = arith.constant 0 : i32
      %dma_start3A_15 = tpu.memref_slice %arg2[%dma_start3A_13, %dma_start3A_14] : memref<8832x128xi32, #tpu.memory_space<hbm>> -> memref<128x128xi32, #tpu.memory_space<hbm>>
      tpu.enqueue_dma source(%dma_start3A_15 : memref<128x128xi32, #tpu.memory_space<hbm>>) target(%arg7 : memref<128x128xi32, #tpu.memory_space<vmem>>) target_semaphore(%run_scoped3A : memref<!tpu.dma_semaphore, #tpu.memory_space<semaphore_mem>>)
      %dma_wait3A = arith.constant 4096 : i32
      %dma_wait3A_16 = arith.constant 0 : i32
      %dma_wait3A_17 = tpu.memref_slice %arg2[%dma_wait3A, %dma_wait3A_16] : memref<8832x128xi32, #tpu.memory_space<hbm>> -> memref<128x128xi32, #tpu.memory_space<hbm>>
      %dma_wait3A_18 = arith.constant 4096 : i32
      %dma_wait3A_19 = arith.constant 0 : i32
      %dma_wait3A_20 = tpu.memref_slice %arg2[%dma_wait3A_18, %dma_wait3A_19] : memref<8832x128xi32, #tpu.memory_space<hbm>> -> memref<128x128xi32, #tpu.memory_space<hbm>>
      tpu.wait_dma2 semaphore(%run_scoped3A : memref<!tpu.dma_semaphore, #tpu.memory_space<semaphore_mem>>) src(%dma_wait3A_20 : memref<128x128xi32, #tpu.memory_space<hbm>>) dst(%arg7 : memref<128x128xi32, #tpu.memory_space<vmem>>)
      tpu.yield
    }) : () -> ()
    %mul3A = arith.constant 16 : i32
    %mul3A_0 = arith.muli %arg0, %mul3A : i32
    %add3A = arith.addi %mul3A_0, %arg1 : i32
    %mul3A_1 = arith.constant 128 : i32
    %mul3A_2 = arith.muli %add3A, %mul3A_1 : i32
    %add3A_3 = arith.constant 0 : i32
    %add3A_4 = arith.addi %add3A_3, %mul3A_2 : i32
    "tpu.region"() ({
      %run_scoped3A = tpu.sem_alloc : memref<!tpu.dma_semaphore, #tpu.memory_space<semaphore_mem>>
      %dma_start3A = arith.constant 0 : i32
      %dma_start3A_11 = tpu.memref_slice %arg2[%add3A_4, %dma_start3A] : memref<8832x128xi32, #tpu.memory_space<hbm>> -> memref<128x128xi32, #tpu.memory_space<hbm>>
      %dma_start3A_12 = arith.constant 0 : i32
      %dma_start3A_13 = tpu.memref_slice %arg2[%add3A_4, %dma_start3A_12] : memref<8832x128xi32, #tpu.memory_space<hbm>> -> memref<128x128xi32, #tpu.memory_space<hbm>>
      tpu.enqueue_dma source(%dma_start3A_13 : memref<128x128xi32, #tpu.memory_space<hbm>>) target(%arg6 : memref<128x128xi32, #tpu.memory_space<vmem>>) target_semaphore(%run_scoped3A : memref<!tpu.dma_semaphore, #tpu.memory_space<semaphore_mem>>)
      %dma_wait3A = arith.constant 0 : i32
      %dma_wait3A_14 = tpu.memref_slice %arg2[%add3A_4, %dma_wait3A] : memref<8832x128xi32, #tpu.memory_space<hbm>> -> memref<128x128xi32, #tpu.memory_space<hbm>>
      %dma_wait3A_15 = arith.constant 0 : i32
      %dma_wait3A_16 = tpu.memref_slice %arg2[%add3A_4, %dma_wait3A_15] : memref<8832x128xi32, #tpu.memory_space<hbm>> -> memref<128x128xi32, #tpu.memory_space<hbm>>
      tpu.wait_dma2 semaphore(%run_scoped3A : memref<!tpu.dma_semaphore, #tpu.memory_space<semaphore_mem>>) src(%dma_wait3A_16 : memref<128x128xi32, #tpu.memory_space<hbm>>) dst(%arg6 : memref<128x128xi32, #tpu.memory_space<vmem>>)
      tpu.yield
    }) : () -> ()
    %scan3A = arith.constant 0 : i32
    %scan3A_5 = arith.constant 0 : i32
    %scan3A_6 = arith.constant 2 : i32
    %scan3A_7 = arith.addi %scan3A_5, %scan3A_6 : i32
    %scan3A_8 = arith.constant 1 : i32
    %scan3A_9 = scf.for %scan3A_11 = %scan3A_5 to %scan3A_7 step %scan3A_8 iter_args(%scan3A_12 = %scan3A) -> (i32)  : i32 {
      %mul3A_13 = arith.constant 2512 : i32
      %mul3A_14 = arith.muli %arg1, %mul3A_13 : i32
      "tpu.region"() ({
        %run_scoped3A = tpu.sem_alloc : memref<!tpu.dma_semaphore, #tpu.memory_space<semaphore_mem>>
        %dma_start3A = arith.constant 0 : i32
        %dma_start3A_39 = tpu.memref_slice %arg10[%mul3A_14, %dma_start3A] : memref<40192x32xf32, #tpu.memory_space<vmem_shared>> -> memref<2512x32xf32, #tpu.memory_space<vmem_shared>>
        tpu.enqueue_dma source(%arg3 : memref<2512x32xf32, #tpu.memory_space<hbm>>) target(%dma_start3A_39 : memref<2512x32xf32, #tpu.memory_space<vmem_shared>>) target_semaphore(%run_scoped3A : memref<!tpu.dma_semaphore, #tpu.memory_space<semaphore_mem>>)
        %dma_wait3A = arith.constant 0 : i32
        %dma_wait3A_40 = tpu.memref_slice %arg10[%mul3A_14, %dma_wait3A] : memref<40192x32xf32, #tpu.memory_space<vmem_shared>> -> memref<2512x32xf32, #tpu.memory_space<vmem_shared>>
        tpu.wait_dma2 semaphore(%run_scoped3A : memref<!tpu.dma_semaphore, #tpu.memory_space<semaphore_mem>>) src(%arg3 : memref<2512x32xf32, #tpu.memory_space<hbm>>) dst(%dma_wait3A_40 : memref<2512x32xf32, #tpu.memory_space<vmem_shared>>)
        tpu.yield
      }) : () -> ()
      %mul3A_15 = arith.constant 2 : i32
      %mul3A_16 = arith.muli %arg0, %mul3A_15 : i32
      %add3A_17 = arith.addi %mul3A_16, %scan3A_11 : i32
      %mul3A_18 = arith.constant 16 : i32
      %mul3A_19 = arith.muli %add3A_17, %mul3A_18 : i32
      %add3A_20 = arith.addi %mul3A_19, %arg1 : i32
      %mul3A_21 = arith.constant 72 : i32
      %mul3A_22 = arith.muli %add3A_20, %mul3A_21 : i32
      %add3A_23 = arith.constant 4224 : i32
      %add3A_24 = arith.addi %add3A_23, %mul3A_22 : i32
      "tpu.region"() ({
        %run_scoped3A = tpu.sem_alloc : memref<!tpu.dma_semaphore, #tpu.memory_space<semaphore_mem>>
        %dma_start3A = arith.constant 0 : i32
        %dma_start3A_39 = tpu.memref_slice %arg2[%add3A_24, %dma_start3A] : memref<8832x128xi32, #tpu.memory_space<hbm>> -> memref<72x128xi32, #tpu.memory_space<hbm>>
        %dma_start3A_40 = arith.constant 0 : i32
        %dma_start3A_41 = tpu.memref_slice %arg2[%add3A_24, %dma_start3A_40] : memref<8832x128xi32, #tpu.memory_space<hbm>> -> memref<72x128xi32, #tpu.memory_space<hbm>>
        tpu.enqueue_dma source(%dma_start3A_41 : memref<72x128xi32, #tpu.memory_space<hbm>>) target(%arg5 : memref<72x128xi32, #tpu.memory_space<vmem>>) target_semaphore(%run_scoped3A : memref<!tpu.dma_semaphore, #tpu.memory_space<semaphore_mem>>)
        %dma_wait3A = arith.constant 0 : i32
        %dma_wait3A_42 = tpu.memref_slice %arg2[%add3A_24, %dma_wait3A] : memref<8832x128xi32, #tpu.memory_space<hbm>> -> memref<72x128xi32, #tpu.memory_space<hbm>>
        %dma_wait3A_43 = arith.constant 0 : i32
        %dma_wait3A_44 = tpu.memref_slice %arg2[%add3A_24, %dma_wait3A_43] : memref<8832x128xi32, #tpu.memory_space<hbm>> -> memref<72x128xi32, #tpu.memory_space<hbm>>
        tpu.wait_dma2 semaphore(%run_scoped3A : memref<!tpu.dma_semaphore, #tpu.memory_space<semaphore_mem>>) src(%dma_wait3A_44 : memref<72x128xi32, #tpu.memory_space<hbm>>) dst(%arg5 : memref<72x128xi32, #tpu.memory_space<vmem>>)
        tpu.yield
      }) : () -> ()
      %barrier3A = arith.constant 0 : index
      tpu.barrier barrier_id(%barrier3A)
      %scan3A_25 = arith.constant 0 : i32
      %scan3A_26 = arith.constant 0 : i32
      %scan3A_27 = arith.constant 124 : i32
      %scan3A_28 = arith.addi %scan3A_26, %scan3A_27 : i32
      %scan3A_29 = arith.constant 1 : i32
      %scan3A_30 = scf.for %scan3A_39 = %scan3A_26 to %scan3A_28 step %scan3A_29 iter_args(%scan3A_40 = %scan3A_25) -> (i32)  : i32 {
        %scan3A_41 = arith.constant 0 : i32
        %scan3A_42 = arith.constant 0 : i32
        %scan3A_43 = arith.constant 8 : i32
        %scan3A_44 = arith.addi %scan3A_42, %scan3A_43 : i32
        %scan3A_45 = arith.constant 1 : i32
        %scan3A_46 = scf.for %scan3A_49 = %scan3A_42 to %scan3A_44 step %scan3A_45 iter_args(%scan3A_50 = %scan3A_41) -> (i32)  : i32 {
          %mul3A_51 = arith.constant 16 : i32
          %mul3A_52 = arith.muli %scan3A_49, %mul3A_51 : i32
          %get3A = arith.index_cast %scan3A_39 : i32 to index
          %get3A_53 = arith.index_cast %mul3A_52 : i32 to index
          %get3A_54 = tpu.vector_load %arg6[%get3A, %get3A_53] {strides = array<i32>} : memref<128x128xi32, #tpu.memory_space<vmem>>, vector<1x16xi32>,
          %get3A_55 = vector.shape_cast %get3A_54 : vector<1x16xi32> to vector<16xi32>
          %shift_right_logical3A = arith.constant 16 : i32
          %shift_right_logical3A_56 = vector.broadcast %shift_right_logical3A : i32 to vector<16xi32>
          %shift_right_logical3A_57 = arith.shrui %get3A_55, %shift_right_logical3A_56 : vector<16xi32>
          %swap3A = arith.constant 0 : i32
          %swap3A_58 = arith.index_cast %swap3A : i32 to index
          %swap3A_59 = arith.index_cast %mul3A_52 : i32 to index
          %swap3A_60 = tpu.vector_load %arg8[%swap3A_58, %swap3A_59] {strides = array<i32>} : memref<1x128xi32, #tpu.memory_space<vmem>>, vector<1x16xi32>,
          %swap3A_61 = vector.shape_cast %swap3A_60 : vector<1x16xi32> to vector<16xi32>
          %swap3A_62 = vector.shape_cast %shift_right_logical3A_57 : vector<16xi32> to vector<1x16xi32>
          tpu.vector_store %arg8[%swap3A_58, %swap3A_59], %swap3A_62 {strides = array<i32>} : memref<1x128xi32, #tpu.memory_space<vmem>>, vector<1x16xi32>,
          %get3A_63 = arith.index_cast %scan3A_39 : i32 to index
          %get3A_64 = arith.index_cast %mul3A_52 : i32 to index
          %get3A_65 = tpu.vector_load %arg7[%get3A_63, %get3A_64] {strides = array<i32>} : memref<128x128xi32, #tpu.memory_space<vmem>>, vector<1x16xi32>,
          %get3A_66 = vector.shape_cast %get3A_65 : vector<1x16xi32> to vector<16xi32>
          %slice3A = vector.extract_strided_slice %get3A_55 {offsets = [0], sizes = [1], strides = [1]} : vector<16xi32> to vector<1xi32>
          %squeeze3A = vector.extract %slice3A[0] : i32 from vector<1xi32>
          %and3A = arith.constant 65535 : i32
          %and3A_67 = arith.andi %squeeze3A, %and3A : i32
          %convert_element_type3A = arith.sitofp %and3A_67 : i32 to f32
          %mul3A_68 = arith.constant 1.45521373E-11 : f32
          %mul3A_69 = arith.mulf %convert_element_type3A, %mul3A_68 : f32
          %slice3A_70 = vector.extract_strided_slice %get3A_66 {offsets = [0], sizes = [1], strides = [1]} : vector<16xi32> to vector<1xi32>
          %squeeze3A_71 = vector.extract %slice3A_70[0] : i32 from vector<1xi32>
          %shift_right_logical3A_72 = arith.constant 2 : i32
          %shift_right_logical3A_73 = arith.shrui %squeeze3A_71, %shift_right_logical3A_72 : i32
          %and3A_74 = arith.constant 3 : i32
          %and3A_75 = arith.andi %squeeze3A_71, %and3A_74 : i32
          %mul3A_76 = arith.constant 32 : i32
          %mul3A_77 = arith.muli %and3A_75, %mul3A_76 : i32
          %add3A_78 = arith.constant 0 : i32
          %add3A_79 = arith.addi %mul3A_77, %add3A_78 : i32
          %get3A_80 = arith.index_cast %shift_right_logical3A_73 : i32 to index
          %get3A_81 = arith.index_cast %add3A_79 : i32 to index
          %get3A_82 = tpu.vector_load %arg5[%get3A_80, %get3A_81] {strides = array<i32>} : memref<72x128xi32, #tpu.memory_space<vmem>>, vector<1x16xi32>,
          %get3A_83 = vector.shape_cast %get3A_82 : vector<1x16xi32> to vector<16xi32>
          %convert_element_type3A_84 = arith.sitofp %get3A_83 : vector<16xi32> to vector<16xf32>
          %mul3A_85 = vector.broadcast %mul3A_69 : f32 to vector<16xf32>
          %mul3A_86 = arith.mulf %mul3A_85, %convert_element_type3A_84 : vector<16xf32>
          %mul3A_87 = arith.constant 16 : i32
          %mul3A_88 = arith.muli %scan3A_49, %mul3A_87 : i32
          %add3A_89 = arith.constant 0 : i32
          %add3A_90 = arith.addi %mul3A_88, %add3A_89 : i32
          %swap3A_91 = arith.index_cast %add3A_90 : i32 to index
          %swap3A_92 = arith.constant 0 : index
          %swap3A_93 = tpu.vector_load %arg9[%swap3A_91, %swap3A_92] {strides = array<i32>} : memref<128x32xf32, #tpu.memory_space<vmem>>, vector<1x16xf32>,
          %swap3A_94 = vector.shape_cast %swap3A_93 : vector<1x16xf32> to vector<16xf32>
          %swap3A_95 = vector.shape_cast %mul3A_86 : vector<16xf32> to vector<1x16xf32>
          tpu.vector_store %arg9[%swap3A_91, %swap3A_92], %swap3A_95 {strides = array<i32>} : memref<128x32xf32, #tpu.memory_space<vmem>>, vector<1x16xf32>,
          %add3A_96 = arith.constant 16 : i32
          %add3A_97 = arith.addi %mul3A_77, %add3A_96 : i32
          %get3A_98 = arith.index_cast %shift_right_logical3A_73 : i32 to index
          %get3A_99 = arith.index_cast %add3A_97 : i32 to index
          %get3A_100 = tpu.vector_load %arg5[%get3A_98, %get3A_99] {strides = array<i32>} : memref<72x128xi32, #tpu.memory_space<vmem>>, vector<1x16xi32>,
          %get3A_101 = vector.shape_cast %get3A_100 : vector<1x16xi32> to vector<16xi32>
          %convert_element_type3A_102 = arith.sitofp %get3A_101 : vector<16xi32> to vector<16xf32>
          %mul3A_103 = vector.broadcast %mul3A_69 : f32 to vector<16xf32>
          %mul3A_104 = arith.mulf %mul3A_103, %convert_element_type3A_102 : vector<16xf32>
          %mul3A_105 = arith.constant 16 : i32
          %mul3A_106 = arith.muli %scan3A_49, %mul3A_105 : i32
          %add3A_107 = arith.constant 0 : i32
          %add3A_108 = arith.addi %mul3A_106, %add3A_107 : i32
          %swap3A_109 = arith.index_cast %add3A_108 : i32 to index
          %swap3A_110 = arith.constant 16 : index
          %swap3A_111 = tpu.vector_load %arg9[%swap3A_109, %swap3A_110] {strides = array<i32>} : memref<128x32xf32, #tpu.memory_space<vmem>>, vector<1x16xf32>,
          %swap3A_112 = vector.shape_cast %swap3A_111 : vector<1x16xf32> to vector<16xf32>
          %swap3A_113 = vector.shape_cast %mul3A_104 : vector<16xf32> to vector<1x16xf32>
          tpu.vector_store %arg9[%swap3A_109, %swap3A_110], %swap3A_113 {strides = array<i32>} : memref<128x32xf32, #tpu.memory_space<vmem>>, vector<1x16xf32>,
          %slice3A_114 = vector.extract_strided_slice %get3A_55 {offsets = [1], sizes = [1], strides = [1]} : vector<16xi32> to vector<1xi32>
          %squeeze3A_115 = vector.extract %slice3A_114[0] : i32 from vector<1xi32>
          %and3A_116 = arith.constant 65535 : i32
          %and3A_117 = arith.andi %squeeze3A_115, %and3A_116 : i32
          %convert_element_type3A_118 = arith.sitofp %and3A_117 : i32 to f32
          %mul3A_119 = arith.constant 1.45521373E-11 : f32
          %mul3A_120 = arith.mulf %convert_element_type3A_118, %mul3A_119 : f32
          %slice3A_121 = vector.extract_strided_slice %get3A_66 {offsets = [1], sizes = [1], strides = [1]} : vector<16xi32> to vector<1xi32>
          %squeeze3A_122 = vector.extract %slice3A_121[0] : i32 from vector<1xi32>
          %shift_right_logical3A_123 = arith.constant 2 : i32
          %shift_right_logical3A_124 = arith.shrui %squeeze3A_122, %shift_right_logical3A_123 : i32
          %and3A_125 = arith.constant 3 : i32
          %and3A_126 = arith.andi %squeeze3A_122, %and3A_125 : i32
          %mul3A_127 = arith.constant 32 : i32
          %mul3A_128 = arith.muli %and3A_126, %mul3A_127 : i32
          %add3A_129 = arith.constant 0 : i32
          %add3A_130 = arith.addi %mul3A_128, %add3A_129 : i32
          %get3A_131 = arith.index_cast %shift_right_logical3A_124 : i32 to index
          %get3A_132 = arith.index_cast %add3A_130 : i32 to index
          %get3A_133 = tpu.vector_load %arg5[%get3A_131, %get3A_132] {strides = array<i32>} : memref<72x128xi32, #tpu.memory_space<vmem>>, vector<1x16xi32>,
          %get3A_134 = vector.shape_cast %get3A_133 : vector<1x16xi32> to vector<16xi32>
          %convert_element_type3A_135 = arith.sitofp %get3A_134 : vector<16xi32> to vector<16xf32>
          %mul3A_136 = vector.broadcast %mul3A_120 : f32 to vector<16xf32>
          %mul3A_137 = arith.mulf %mul3A_136, %convert_element_type3A_135 : vector<16xf32>
          %mul3A_138 = arith.constant 16 : i32
          %mul3A_139 = arith.muli %scan3A_49, %mul3A_138 : i32
          %add3A_140 = arith.constant 1 : i32
          %add3A_141 = arith.addi %mul3A_139, %add3A_140 : i32
          %swap3A_142 = arith.index_cast %add3A_141 : i32 to index
          %swap3A_143 = arith.constant 0 : index
          %swap3A_144 = tpu.vector_load %arg9[%swap3A_142, %swap3A_143] {strides = array<i32>} : memref<128x32xf32, #tpu.memory_space<vmem>>, vector<1x16xf32>,
          %swap3A_145 = vector.shape_cast %swap3A_144 : vector<1x16xf32> to vector<16xf32>
          %swap3A_146 = vector.shape_cast %mul3A_137 : vector<16xf32> to vector<1x16xf32>
          tpu.vector_store %arg9[%swap3A_142, %swap3A_143], %swap3A_146 {strides = array<i32>} : memref<128x32xf32, #tpu.memory_space<vmem>>, vector<1x16xf32>,
          %add3A_147 = arith.constant 16 : i32
          %add3A_148 = arith.addi %mul3A_128, %add3A_147 : i32
          %get3A_149 = arith.index_cast %shift_right_logical3A_124 : i32 to index
          %get3A_150 = arith.index_cast %add3A_148 : i32 to index
          %get3A_151 = tpu.vector_load %arg5[%get3A_149, %get3A_150] {strides = array<i32>} : memref<72x128xi32, #tpu.memory_space<vmem>>, vector<1x16xi32>,
          %get3A_152 = vector.shape_cast %get3A_151 : vector<1x16xi32> to vector<16xi32>
          %convert_element_type3A_153 = arith.sitofp %get3A_152 : vector<16xi32> to vector<16xf32>
          %mul3A_154 = vector.broadcast %mul3A_120 : f32 to vector<16xf32>
          %mul3A_155 = arith.mulf %mul3A_154, %convert_element_type3A_153 : vector<16xf32>
          %mul3A_156 = arith.constant 16 : i32
          %mul3A_157 = arith.muli %scan3A_49, %mul3A_156 : i32
          %add3A_158 = arith.constant 1 : i32
          %add3A_159 = arith.addi %mul3A_157, %add3A_158 : i32
          %swap3A_160 = arith.index_cast %add3A_159 : i32 to index
          %swap3A_161 = arith.constant 16 : index
          %swap3A_162 = tpu.vector_load %arg9[%swap3A_160, %swap3A_161] {strides = array<i32>} : memref<128x32xf32, #tpu.memory_space<vmem>>, vector<1x16xf32>,
          %swap3A_163 = vector.shape_cast %swap3A_162 : vector<1x16xf32> to vector<16xf32>
          %swap3A_164 = vector.shape_cast %mul3A_155 : vector<16xf32> to vector<1x16xf32>
          tpu.vector_store %arg9[%swap3A_160, %swap3A_161], %swap3A_164 {strides = array<i32>} : memref<128x32xf32, #tpu.memory_space<vmem>>, vector<1x16xf32>,
          %slice3A_165 = vector.extract_strided_slice %get3A_55 {offsets = [2], sizes = [1], strides = [1]} : vector<16xi32> to vector<1xi32>
          %squeeze3A_166 = vector.extract %slice3A_165[0] : i32 from vector<1xi32>
          %and3A_167 = arith.constant 65535 : i32
          %and3A_168 = arith.andi %squeeze3A_166, %and3A_167 : i32
          %convert_element_type3A_169 = arith.sitofp %and3A_168 : i32 to f32
          %mul3A_170 = arith.constant 1.45521373E-11 : f32
          %mul3A_171 = arith.mulf %convert_element_type3A_169, %mul3A_170 : f32
          %slice3A_172 = vector.extract_strided_slice %get3A_66 {offsets = [2], sizes = [1], strides = [1]} : vector<16xi32> to vector<1xi32>
          %squeeze3A_173 = vector.extract %slice3A_172[0] : i32 from vector<1xi32>
          %shift_right_logical3A_174 = arith.constant 2 : i32
          %shift_right_logical3A_175 = arith.shrui %squeeze3A_173, %shift_right_logical3A_174 : i32
          %and3A_176 = arith.constant 3 : i32
          %and3A_177 = arith.andi %squeeze3A_173, %and3A_176 : i32
          %mul3A_178 = arith.constant 32 : i32
          %mul3A_179 = arith.muli %and3A_177, %mul3A_178 : i32
          %add3A_180 = arith.constant 0 : i32
          %add3A_181 = arith.addi %mul3A_179, %add3A_180 : i32
          %get3A_182 = arith.index_cast %shift_right_logical3A_175 : i32 to index
          %get3A_183 = arith.index_cast %add3A_181 : i32 to index
          %get3A_184 = tpu.vector_load %arg5[%get3A_182, %get3A_183] {strides = array<i32>} : memref<72x128xi32, #tpu.memory_space<vmem>>, vector<1x16xi32>,
          %get3A_185 = vector.shape_cast %get3A_184 : vector<1x16xi32> to vector<16xi32>
          %convert_element_type3A_186 = arith.sitofp %get3A_185 : vector<16xi32> to vector<16xf32>
          %mul3A_187 = vector.broadcast %mul3A_171 : f32 to vector<16xf32>
          %mul3A_188 = arith.mulf %mul3A_187, %convert_element_type3A_186 : vector<16xf32>
          %mul3A_189 = arith.constant 16 : i32
          %mul3A_190 = arith.muli %scan3A_49, %mul3A_189 : i32
          %add3A_191 = arith.constant 2 : i32
          %add3A_192 = arith.addi %mul3A_190, %add3A_191 : i32
          %swap3A_193 = arith.index_cast %add3A_192 : i32 to index
          %swap3A_194 = arith.constant 0 : index
          %swap3A_195 = tpu.vector_load %arg9[%swap3A_193, %swap3A_194] {strides = array<i32>} : memref<128x32xf32, #tpu.memory_space<vmem>>, vector<1x16xf32>,
          %swap3A_196 = vector.shape_cast %swap3A_195 : vector<1x16xf32> to vector<16xf32>
          %swap3A_197 = vector.shape_cast %mul3A_188 : vector<16xf32> to vector<1x16xf32>
          tpu.vector_store %arg9[%swap3A_193, %swap3A_194], %swap3A_197 {strides = array<i32>} : memref<128x32xf32, #tpu.memory_space<vmem>>, vector<1x16xf32>,
          %add3A_198 = arith.constant 16 : i32
          %add3A_199 = arith.addi %mul3A_179, %add3A_198 : i32
          %get3A_200 = arith.index_cast %shift_right_logical3A_175 : i32 to index
          %get3A_201 = arith.index_cast %add3A_199 : i32 to index
          %get3A_202 = tpu.vector_load %arg5[%get3A_200, %get3A_201] {strides = array<i32>} : memref<72x128xi32, #tpu.memory_space<vmem>>, vector<1x16xi32>,
          %get3A_203 = vector.shape_cast %get3A_202 : vector<1x16xi32> to vector<16xi32>
          %convert_element_type3A_204 = arith.sitofp %get3A_203 : vector<16xi32> to vector<16xf32>
          %mul3A_205 = vector.broadcast %mul3A_171 : f32 to vector<16xf32>
          %mul3A_206 = arith.mulf %mul3A_205, %convert_element_type3A_204 : vector<16xf32>
          %mul3A_207 = arith.constant 16 : i32
          %mul3A_208 = arith.muli %scan3A_49, %mul3A_207 : i32
          %add3A_209 = arith.constant 2 : i32
          %add3A_210 = arith.addi %mul3A_208, %add3A_209 : i32
          %swap3A_211 = arith.index_cast %add3A_210 : i32 to index
          %swap3A_212 = arith.constant 16 : index
          %swap3A_213 = tpu.vector_load %arg9[%swap3A_211, %swap3A_212] {strides = array<i32>} : memref<128x32xf32, #tpu.memory_space<vmem>>, vector<1x16xf32>,
          %swap3A_214 = vector.shape_cast %swap3A_213 : vector<1x16xf32> to vector<16xf32>
          %swap3A_215 = vector.shape_cast %mul3A_206 : vector<16xf32> to vector<1x16xf32>
          tpu.vector_store %arg9[%swap3A_211, %swap3A_212], %swap3A_215 {strides = array<i32>} : memref<128x32xf32, #tpu.memory_space<vmem>>, vector<1x16xf32>,
          %slice3A_216 = vector.extract_strided_slice %get3A_55 {offsets = [3], sizes = [1], strides = [1]} : vector<16xi32> to vector<1xi32>
          %squeeze3A_217 = vector.extract %slice3A_216[0] : i32 from vector<1xi32>
          %and3A_218 = arith.constant 65535 : i32
          %and3A_219 = arith.andi %squeeze3A_217, %and3A_218 : i32
          %convert_element_type3A_220 = arith.sitofp %and3A_219 : i32 to f32
          %mul3A_221 = arith.constant 1.45521373E-11 : f32
          %mul3A_222 = arith.mulf %convert_element_type3A_220, %mul3A_221 : f32
          %slice3A_223 = vector.extract_strided_slice %get3A_66 {offsets = [3], sizes = [1], strides = [1]} : vector<16xi32> to vector<1xi32>
          %squeeze3A_224 = vector.extract %slice3A_223[0] : i32 from vector<1xi32>
          %shift_right_logical3A_225 = arith.constant 2 : i32
          %shift_right_logical3A_226 = arith.shrui %squeeze3A_224, %shift_right_logical3A_225 : i32
          %and3A_227 = arith.constant 3 : i32
          %and3A_228 = arith.andi %squeeze3A_224, %and3A_227 : i32
          %mul3A_229 = arith.constant 32 : i32
          %mul3A_230 = arith.muli %and3A_228, %mul3A_229 : i32
          %add3A_231 = arith.constant 0 : i32
          %add3A_232 = arith.addi %mul3A_230, %add3A_231 : i32
          %get3A_233 = arith.index_cast %shift_right_logical3A_226 : i32 to index
          %get3A_234 = arith.index_cast %add3A_232 : i32 to index
          %get3A_235 = tpu.vector_load %arg5[%get3A_233, %get3A_234] {strides = array<i32>} : memref<72x128xi32, #tpu.memory_space<vmem>>, vector<1x16xi32>,
          %get3A_236 = vector.shape_cast %get3A_235 : vector<1x16xi32> to vector<16xi32>
          %convert_element_type3A_237 = arith.sitofp %get3A_236 : vector<16xi32> to vector<16xf32>
          %mul3A_238 = vector.broadcast %mul3A_222 : f32 to vector<16xf32>
          %mul3A_239 = arith.mulf %mul3A_238, %convert_element_type3A_237 : vector<16xf32>
          %mul3A_240 = arith.constant 16 : i32
          %mul3A_241 = arith.muli %scan3A_49, %mul3A_240 : i32
          %add3A_242 = arith.constant 3 : i32
          %add3A_243 = arith.addi %mul3A_241, %add3A_242 : i32
          %swap3A_244 = arith.index_cast %add3A_243 : i32 to index
          %swap3A_245 = arith.constant 0 : index
          %swap3A_246 = tpu.vector_load %arg9[%swap3A_244, %swap3A_245] {strides = array<i32>} : memref<128x32xf32, #tpu.memory_space<vmem>>, vector<1x16xf32>,
          %swap3A_247 = vector.shape_cast %swap3A_246 : vector<1x16xf32> to vector<16xf32>
          %swap3A_248 = vector.shape_cast %mul3A_239 : vector<16xf32> to vector<1x16xf32>
          tpu.vector_store %arg9[%swap3A_244, %swap3A_245], %swap3A_248 {strides = array<i32>} : memref<128x32xf32, #tpu.memory_space<vmem>>, vector<1x16xf32>,
          %add3A_249 = arith.constant 16 : i32
          %add3A_250 = arith.addi %mul3A_230, %add3A_249 : i32
          %get3A_251 = arith.index_cast %shift_right_logical3A_226 : i32 to index
          %get3A_252 = arith.index_cast %add3A_250 : i32 to index
          %get3A_253 = tpu.vector_load %arg5[%get3A_251, %get3A_252] {strides = array<i32>} : memref<72x128xi32, #tpu.memory_space<vmem>>, vector<1x16xi32>,
          %get3A_254 = vector.shape_cast %get3A_253 : vector<1x16xi32> to vector<16xi32>
          %convert_element_type3A_255 = arith.sitofp %get3A_254 : vector<16xi32> to vector<16xf32>
          %mul3A_256 = vector.broadcast %mul3A_222 : f32 to vector<16xf32>
          %mul3A_257 = arith.mulf %mul3A_256, %convert_element_type3A_255 : vector<16xf32>
          %mul3A_258 = arith.constant 16 : i32
          %mul3A_259 = arith.muli %scan3A_49, %mul3A_258 : i32
          %add3A_260 = arith.constant 3 : i32
          %add3A_261 = arith.addi %mul3A_259, %add3A_260 : i32
          %swap3A_262 = arith.index_cast %add3A_261 : i32 to index
          %swap3A_263 = arith.constant 16 : index
          %swap3A_264 = tpu.vector_load %arg9[%swap3A_262, %swap3A_263] {strides = array<i32>} : memref<128x32xf32, #tpu.memory_space<vmem>>, vector<1x16xf32>,
          %swap3A_265 = vector.shape_cast %swap3A_264 : vector<1x16xf32> to vector<16xf32>
          %swap3A_266 = vector.shape_cast %mul3A_257 : vector<16xf32> to vector<1x16xf32>
          tpu.vector_store %arg9[%swap3A_262, %swap3A_263], %swap3A_266 {strides = array<i32>} : memref<128x32xf32, #tpu.memory_space<vmem>>, vector<1x16xf32>,
          %slice3A_267 = vector.extract_strided_slice %get3A_55 {offsets = [4], sizes = [1], strides = [1]} : vector<16xi32> to vector<1xi32>
          %squeeze3A_268 = vector.extract %slice3A_267[0] : i32 from vector<1xi32>
          %and3A_269 = arith.constant 65535 : i32
          %and3A_270 = arith.andi %squeeze3A_268, %and3A_269 : i32
          %convert_element_type3A_271 = arith.sitofp %and3A_270 : i32 to f32
          %mul3A_272 = arith.constant 1.45521373E-11 : f32
          %mul3A_273 = arith.mulf %convert_element_type3A_271, %mul3A_272 : f32
          %slice3A_274 = vector.extract_strided_slice %get3A_66 {offsets = [4], sizes = [1], strides = [1]} : vector<16xi32> to vector<1xi32>
          %squeeze3A_275 = vector.extract %slice3A_274[0] : i32 from vector<1xi32>
          %shift_right_logical3A_276 = arith.constant 2 : i32
          %shift_right_logical3A_277 = arith.shrui %squeeze3A_275, %shift_right_logical3A_276 : i32
          %and3A_278 = arith.constant 3 : i32
          %and3A_279 = arith.andi %squeeze3A_275, %and3A_278 : i32
          %mul3A_280 = arith.constant 32 : i32
          %mul3A_281 = arith.muli %and3A_279, %mul3A_280 : i32
          %add3A_282 = arith.constant 0 : i32
          %add3A_283 = arith.addi %mul3A_281, %add3A_282 : i32
          %get3A_284 = arith.index_cast %shift_right_logical3A_277 : i32 to index
          %get3A_285 = arith.index_cast %add3A_283 : i32 to index
          %get3A_286 = tpu.vector_load %arg5[%get3A_284, %get3A_285] {strides = array<i32>} : memref<72x128xi32, #tpu.memory_space<vmem>>, vector<1x16xi32>,
          %get3A_287 = vector.shape_cast %get3A_286 : vector<1x16xi32> to vector<16xi32>
          %convert_element_type3A_288 = arith.sitofp %get3A_287 : vector<16xi32> to vector<16xf32>
          %mul3A_289 = vector.broadcast %mul3A_273 : f32 to vector<16xf32>
          %mul3A_290 = arith.mulf %mul3A_289, %convert_element_type3A_288 : vector<16xf32>
          %mul3A_291 = arith.constant 16 : i32
          %mul3A_292 = arith.muli %scan3A_49, %mul3A_291 : i32
          %add3A_293 = arith.constant 4 : i32
          %add3A_294 = arith.addi %mul3A_292, %add3A_293 : i32
          %swap3A_295 = arith.index_cast %add3A_294 : i32 to index
          %swap3A_296 = arith.constant 0 : index
          %swap3A_297 = tpu.vector_load %arg9[%swap3A_295, %swap3A_296] {strides = array<i32>} : memref<128x32xf32, #tpu.memory_space<vmem>>, vector<1x16xf32>,
          %swap3A_298 = vector.shape_cast %swap3A_297 : vector<1x16xf32> to vector<16xf32>
          %swap3A_299 = vector.shape_cast %mul3A_290 : vector<16xf32> to vector<1x16xf32>
          tpu.vector_store %arg9[%swap3A_295, %swap3A_296], %swap3A_299 {strides = array<i32>} : memref<128x32xf32, #tpu.memory_space<vmem>>, vector<1x16xf32>,
          %add3A_300 = arith.constant 16 : i32
          %add3A_301 = arith.addi %mul3A_281, %add3A_300 : i32
          %get3A_302 = arith.index_cast %shift_right_logical3A_277 : i32 to index
          %get3A_303 = arith.index_cast %add3A_301 : i32 to index
          %get3A_304 = tpu.vector_load %arg5[%get3A_302, %get3A_303] {strides = array<i32>} : memref<72x128xi32, #tpu.memory_space<vmem>>, vector<1x16xi32>,
          %get3A_305 = vector.shape_cast %get3A_304 : vector<1x16xi32> to vector<16xi32>
          %convert_element_type3A_306 = arith.sitofp %get3A_305 : vector<16xi32> to vector<16xf32>
          %mul3A_307 = vector.broadcast %mul3A_273 : f32 to vector<16xf32>
          %mul3A_308 = arith.mulf %mul3A_307, %convert_element_type3A_306 : vector<16xf32>
          %mul3A_309 = arith.constant 16 : i32
          %mul3A_310 = arith.muli %scan3A_49, %mul3A_309 : i32
          %add3A_311 = arith.constant 4 : i32
          %add3A_312 = arith.addi %mul3A_310, %add3A_311 : i32
          %swap3A_313 = arith.index_cast %add3A_312 : i32 to index
          %swap3A_314 = arith.constant 16 : index
          %swap3A_315 = tpu.vector_load %arg9[%swap3A_313, %swap3A_314] {strides = array<i32>} : memref<128x32xf32, #tpu.memory_space<vmem>>, vector<1x16xf32>,
          %swap3A_316 = vector.shape_cast %swap3A_315 : vector<1x16xf32> to vector<16xf32>
          %swap3A_317 = vector.shape_cast %mul3A_308 : vector<16xf32> to vector<1x16xf32>
          tpu.vector_store %arg9[%swap3A_313, %swap3A_314], %swap3A_317 {strides = array<i32>} : memref<128x32xf32, #tpu.memory_space<vmem>>, vector<1x16xf32>,
          %slice3A_318 = vector.extract_strided_slice %get3A_55 {offsets = [5], sizes = [1], strides = [1]} : vector<16xi32> to vector<1xi32>
          %squeeze3A_319 = vector.extract %slice3A_318[0] : i32 from vector<1xi32>
          %and3A_320 = arith.constant 65535 : i32
          %and3A_321 = arith.andi %squeeze3A_319, %and3A_320 : i32
          %convert_element_type3A_322 = arith.sitofp %and3A_321 : i32 to f32
          %mul3A_323 = arith.constant 1.45521373E-11 : f32
          %mul3A_324 = arith.mulf %convert_element_type3A_322, %mul3A_323 : f32
          %slice3A_325 = vector.extract_strided_slice %get3A_66 {offsets = [5], sizes = [1], strides = [1]} : vector<16xi32> to vector<1xi32>
          %squeeze3A_326 = vector.extract %slice3A_325[0] : i32 from vector<1xi32>
          %shift_right_logical3A_327 = arith.constant 2 : i32
          %shift_right_logical3A_328 = arith.shrui %squeeze3A_326, %shift_right_logical3A_327 : i32
          %and3A_329 = arith.constant 3 : i32
          %and3A_330 = arith.andi %squeeze3A_326, %and3A_329 : i32
          %mul3A_331 = arith.constant 32 : i32
          %mul3A_332 = arith.muli %and3A_330, %mul3A_331 : i32
          %add3A_333 = arith.constant 0 : i32
          %add3A_334 = arith.addi %mul3A_332, %add3A_333 : i32
          %get3A_335 = arith.index_cast %shift_right_logical3A_328 : i32 to index
          %get3A_336 = arith.index_cast %add3A_334 : i32 to index
          %get3A_337 = tpu.vector_load %arg5[%get3A_335, %get3A_336] {strides = array<i32>} : memref<72x128xi32, #tpu.memory_space<vmem>>, vector<1x16xi32>,
          %get3A_338 = vector.shape_cast %get3A_337 : vector<1x16xi32> to vector<16xi32>
          %convert_element_type3A_339 = arith.sitofp %get3A_338 : vector<16xi32> to vector<16xf32>
          %mul3A_340 = vector.broadcast %mul3A_324 : f32 to vector<16xf32>
          %mul3A_341 = arith.mulf %mul3A_340, %convert_element_type3A_339 : vector<16xf32>
          %mul3A_342 = arith.constant 16 : i32
          %mul3A_343 = arith.muli %scan3A_49, %mul3A_342 : i32
          %add3A_344 = arith.constant 5 : i32
          %add3A_345 = arith.addi %mul3A_343, %add3A_344 : i32
          %swap3A_346 = arith.index_cast %add3A_345 : i32 to index
          %swap3A_347 = arith.constant 0 : index
          %swap3A_348 = tpu.vector_load %arg9[%swap3A_346, %swap3A_347] {strides = array<i32>} : memref<128x32xf32, #tpu.memory_space<vmem>>, vector<1x16xf32>,
          %swap3A_349 = vector.shape_cast %swap3A_348 : vector<1x16xf32> to vector<16xf32>
          %swap3A_350 = vector.shape_cast %mul3A_341 : vector<16xf32> to vector<1x16xf32>
          tpu.vector_store %arg9[%swap3A_346, %swap3A_347], %swap3A_350 {strides = array<i32>} : memref<128x32xf32, #tpu.memory_space<vmem>>, vector<1x16xf32>,
          %add3A_351 = arith.constant 16 : i32
          %add3A_352 = arith.addi %mul3A_332, %add3A_351 : i32
          %get3A_353 = arith.index_cast %shift_right_logical3A_328 : i32 to index
          %get3A_354 = arith.index_cast %add3A_352 : i32 to index
          %get3A_355 = tpu.vector_load %arg5[%get3A_353, %get3A_354] {strides = array<i32>} : memref<72x128xi32, #tpu.memory_space<vmem>>, vector<1x16xi32>,
          %get3A_356 = vector.shape_cast %get3A_355 : vector<1x16xi32> to vector<16xi32>
          %convert_element_type3A_357 = arith.sitofp %get3A_356 : vector<16xi32> to vector<16xf32>
          %mul3A_358 = vector.broadcast %mul3A_324 : f32 to vector<16xf32>
          %mul3A_359 = arith.mulf %mul3A_358, %convert_element_type3A_357 : vector<16xf32>
          %mul3A_360 = arith.constant 16 : i32
          %mul3A_361 = arith.muli %scan3A_49, %mul3A_360 : i32
          %add3A_362 = arith.constant 5 : i32
          %add3A_363 = arith.addi %mul3A_361, %add3A_362 : i32
          %swap3A_364 = arith.index_cast %add3A_363 : i32 to index
          %swap3A_365 = arith.constant 16 : index
          %swap3A_366 = tpu.vector_load %arg9[%swap3A_364, %swap3A_365] {strides = array<i32>} : memref<128x32xf32, #tpu.memory_space<vmem>>, vector<1x16xf32>,
          %swap3A_367 = vector.shape_cast %swap3A_366 : vector<1x16xf32> to vector<16xf32>
          %swap3A_368 = vector.shape_cast %mul3A_359 : vector<16xf32> to vector<1x16xf32>
          tpu.vector_store %arg9[%swap3A_364, %swap3A_365], %swap3A_368 {strides = array<i32>} : memref<128x32xf32, #tpu.memory_space<vmem>>, vector<1x16xf32>,
          %slice3A_369 = vector.extract_strided_slice %get3A_55 {offsets = [6], sizes = [1], strides = [1]} : vector<16xi32> to vector<1xi32>
          %squeeze3A_370 = vector.extract %slice3A_369[0] : i32 from vector<1xi32>
          %and3A_371 = arith.constant 65535 : i32
          %and3A_372 = arith.andi %squeeze3A_370, %and3A_371 : i32
          %convert_element_type3A_373 = arith.sitofp %and3A_372 : i32 to f32
          %mul3A_374 = arith.constant 1.45521373E-11 : f32
          %mul3A_375 = arith.mulf %convert_element_type3A_373, %mul3A_374 : f32
          %slice3A_376 = vector.extract_strided_slice %get3A_66 {offsets = [6], sizes = [1], strides = [1]} : vector<16xi32> to vector<1xi32>
          %squeeze3A_377 = vector.extract %slice3A_376[0] : i32 from vector<1xi32>
          %shift_right_logical3A_378 = arith.constant 2 : i32
          %shift_right_logical3A_379 = arith.shrui %squeeze3A_377, %shift_right_logical3A_378 : i32
          %and3A_380 = arith.constant 3 : i32
          %and3A_381 = arith.andi %squeeze3A_377, %and3A_380 : i32
          %mul3A_382 = arith.constant 32 : i32
          %mul3A_383 = arith.muli %and3A_381, %mul3A_382 : i32
          %add3A_384 = arith.constant 0 : i32
          %add3A_385 = arith.addi %mul3A_383, %add3A_384 : i32
          %get3A_386 = arith.index_cast %shift_right_logical3A_379 : i32 to index
          %get3A_387 = arith.index_cast %add3A_385 : i32 to index
          %get3A_388 = tpu.vector_load %arg5[%get3A_386, %get3A_387] {strides = array<i32>} : memref<72x128xi32, #tpu.memory_space<vmem>>, vector<1x16xi32>,
          %get3A_389 = vector.shape_cast %get3A_388 : vector<1x16xi32> to vector<16xi32>
          %convert_element_type3A_390 = arith.sitofp %get3A_389 : vector<16xi32> to vector<16xf32>
          %mul3A_391 = vector.broadcast %mul3A_375 : f32 to vector<16xf32>
          %mul3A_392 = arith.mulf %mul3A_391, %convert_element_type3A_390 : vector<16xf32>
          %mul3A_393 = arith.constant 16 : i32
          %mul3A_394 = arith.muli %scan3A_49, %mul3A_393 : i32
          %add3A_395 = arith.constant 6 : i32
          %add3A_396 = arith.addi %mul3A_394, %add3A_395 : i32
          %swap3A_397 = arith.index_cast %add3A_396 : i32 to index
          %swap3A_398 = arith.constant 0 : index
          %swap3A_399 = tpu.vector_load %arg9[%swap3A_397, %swap3A_398] {strides = array<i32>} : memref<128x32xf32, #tpu.memory_space<vmem>>, vector<1x16xf32>,
          %swap3A_400 = vector.shape_cast %swap3A_399 : vector<1x16xf32> to vector<16xf32>
          %swap3A_401 = vector.shape_cast %mul3A_392 : vector<16xf32> to vector<1x16xf32>
          tpu.vector_store %arg9[%swap3A_397, %swap3A_398], %swap3A_401 {strides = array<i32>} : memref<128x32xf32, #tpu.memory_space<vmem>>, vector<1x16xf32>,
          %add3A_402 = arith.constant 16 : i32
          %add3A_403 = arith.addi %mul3A_383, %add3A_402 : i32
          %get3A_404 = arith.index_cast %shift_right_logical3A_379 : i32 to index
          %get3A_405 = arith.index_cast %add3A_403 : i32 to index
          %get3A_406 = tpu.vector_load %arg5[%get3A_404, %get3A_405] {strides = array<i32>} : memref<72x128xi32, #tpu.memory_space<vmem>>, vector<1x16xi32>,
          %get3A_407 = vector.shape_cast %get3A_406 : vector<1x16xi32> to vector<16xi32>
          %convert_element_type3A_408 = arith.sitofp %get3A_407 : vector<16xi32> to vector<16xf32>
          %mul3A_409 = vector.broadcast %mul3A_375 : f32 to vector<16xf32>
          %mul3A_410 = arith.mulf %mul3A_409, %convert_element_type3A_408 : vector<16xf32>
          %mul3A_411 = arith.constant 16 : i32
          %mul3A_412 = arith.muli %scan3A_49, %mul3A_411 : i32
          %add3A_413 = arith.constant 6 : i32
          %add3A_414 = arith.addi %mul3A_412, %add3A_413 : i32
          %swap3A_415 = arith.index_cast %add3A_414 : i32 to index
          %swap3A_416 = arith.constant 16 : index
          %swap3A_417 = tpu.vector_load %arg9[%swap3A_415, %swap3A_416] {strides = array<i32>} : memref<128x32xf32, #tpu.memory_space<vmem>>, vector<1x16xf32>,
          %swap3A_418 = vector.shape_cast %swap3A_417 : vector<1x16xf32> to vector<16xf32>
          %swap3A_419 = vector.shape_cast %mul3A_410 : vector<16xf32> to vector<1x16xf32>
          tpu.vector_store %arg9[%swap3A_415, %swap3A_416], %swap3A_419 {strides = array<i32>} : memref<128x32xf32, #tpu.memory_space<vmem>>, vector<1x16xf32>,
          %slice3A_420 = vector.extract_strided_slice %get3A_55 {offsets = [7], sizes = [1], strides = [1]} : vector<16xi32> to vector<1xi32>
          %squeeze3A_421 = vector.extract %slice3A_420[0] : i32 from vector<1xi32>
          %and3A_422 = arith.constant 65535 : i32
          %and3A_423 = arith.andi %squeeze3A_421, %and3A_422 : i32
          %convert_element_type3A_424 = arith.sitofp %and3A_423 : i32 to f32
          %mul3A_425 = arith.constant 1.45521373E-11 : f32
          %mul3A_426 = arith.mulf %convert_element_type3A_424, %mul3A_425 : f32
          %slice3A_427 = vector.extract_strided_slice %get3A_66 {offsets = [7], sizes = [1], strides = [1]} : vector<16xi32> to vector<1xi32>
          %squeeze3A_428 = vector.extract %slice3A_427[0] : i32 from vector<1xi32>
          %shift_right_logical3A_429 = arith.constant 2 : i32
          %shift_right_logical3A_430 = arith.shrui %squeeze3A_428, %shift_right_logical3A_429 : i32
          %and3A_431 = arith.constant 3 : i32
          %and3A_432 = arith.andi %squeeze3A_428, %and3A_431 : i32
          %mul3A_433 = arith.constant 32 : i32
          %mul3A_434 = arith.muli %and3A_432, %mul3A_433 : i32
          %add3A_435 = arith.constant 0 : i32
          %add3A_436 = arith.addi %mul3A_434, %add3A_435 : i32
          %get3A_437 = arith.index_cast %shift_right_logical3A_430 : i32 to index
          %get3A_438 = arith.index_cast %add3A_436 : i32 to index
          %get3A_439 = tpu.vector_load %arg5[%get3A_437, %get3A_438] {strides = array<i32>} : memref<72x128xi32, #tpu.memory_space<vmem>>, vector<1x16xi32>,
          %get3A_440 = vector.shape_cast %get3A_439 : vector<1x16xi32> to vector<16xi32>
          %convert_element_type3A_441 = arith.sitofp %get3A_440 : vector<16xi32> to vector<16xf32>
          %mul3A_442 = vector.broadcast %mul3A_426 : f32 to vector<16xf32>
          %mul3A_443 = arith.mulf %mul3A_442, %convert_element_type3A_441 : vector<16xf32>
          %mul3A_444 = arith.constant 16 : i32
          %mul3A_445 = arith.muli %scan3A_49, %mul3A_444 : i32
          %add3A_446 = arith.constant 7 : i32
          %add3A_447 = arith.addi %mul3A_445, %add3A_446 : i32
          %swap3A_448 = arith.index_cast %add3A_447 : i32 to index
          %swap3A_449 = arith.constant 0 : index
          %swap3A_450 = tpu.vector_load %arg9[%swap3A_448, %swap3A_449] {strides = array<i32>} : memref<128x32xf32, #tpu.memory_space<vmem>>, vector<1x16xf32>,
          %swap3A_451 = vector.shape_cast %swap3A_450 : vector<1x16xf32> to vector<16xf32>
          %swap3A_452 = vector.shape_cast %mul3A_443 : vector<16xf32> to vector<1x16xf32>
          tpu.vector_store %arg9[%swap3A_448, %swap3A_449], %swap3A_452 {strides = array<i32>} : memref<128x32xf32, #tpu.memory_space<vmem>>, vector<1x16xf32>,
          %add3A_453 = arith.constant 16 : i32
          %add3A_454 = arith.addi %mul3A_434, %add3A_453 : i32
          %get3A_455 = arith.index_cast %shift_right_logical3A_430 : i32 to index
          %get3A_456 = arith.index_cast %add3A_454 : i32 to index
          %get3A_457 = tpu.vector_load %arg5[%get3A_455, %get3A_456] {strides = array<i32>} : memref<72x128xi32, #tpu.memory_space<vmem>>, vector<1x16xi32>,
          %get3A_458 = vector.shape_cast %get3A_457 : vector<1x16xi32> to vector<16xi32>
          %convert_element_type3A_459 = arith.sitofp %get3A_458 : vector<16xi32> to vector<16xf32>
          %mul3A_460 = vector.broadcast %mul3A_426 : f32 to vector<16xf32>
          %mul3A_461 = arith.mulf %mul3A_460, %convert_element_type3A_459 : vector<16xf32>
          %mul3A_462 = arith.constant 16 : i32
          %mul3A_463 = arith.muli %scan3A_49, %mul3A_462 : i32
          %add3A_464 = arith.constant 7 : i32
          %add3A_465 = arith.addi %mul3A_463, %add3A_464 : i32
          %swap3A_466 = arith.index_cast %add3A_465 : i32 to index
          %swap3A_467 = arith.constant 16 : index
          %swap3A_468 = tpu.vector_load %arg9[%swap3A_466, %swap3A_467] {strides = array<i32>} : memref<128x32xf32, #tpu.memory_space<vmem>>, vector<1x16xf32>,
          %swap3A_469 = vector.shape_cast %swap3A_468 : vector<1x16xf32> to vector<16xf32>
          %swap3A_470 = vector.shape_cast %mul3A_461 : vector<16xf32> to vector<1x16xf32>
          tpu.vector_store %arg9[%swap3A_466, %swap3A_467], %swap3A_470 {strides = array<i32>} : memref<128x32xf32, #tpu.memory_space<vmem>>, vector<1x16xf32>,
          %slice3A_471 = vector.extract_strided_slice %get3A_55 {offsets = [8], sizes = [1], strides = [1]} : vector<16xi32> to vector<1xi32>
          %squeeze3A_472 = vector.extract %slice3A_471[0] : i32 from vector<1xi32>
          %and3A_473 = arith.constant 65535 : i32
          %and3A_474 = arith.andi %squeeze3A_472, %and3A_473 : i32
          %convert_element_type3A_475 = arith.sitofp %and3A_474 : i32 to f32
          %mul3A_476 = arith.constant 1.45521373E-11 : f32
          %mul3A_477 = arith.mulf %convert_element_type3A_475, %mul3A_476 : f32
          %slice3A_478 = vector.extract_strided_slice %get3A_66 {offsets = [8], sizes = [1], strides = [1]} : vector<16xi32> to vector<1xi32>
          %squeeze3A_479 = vector.extract %slice3A_478[0] : i32 from vector<1xi32>
          %shift_right_logical3A_480 = arith.constant 2 : i32
          %shift_right_logical3A_481 = arith.shrui %squeeze3A_479, %shift_right_logical3A_480 : i32
          %and3A_482 = arith.constant 3 : i32
          %and3A_483 = arith.andi %squeeze3A_479, %and3A_482 : i32
          %mul3A_484 = arith.constant 32 : i32
          %mul3A_485 = arith.muli %and3A_483, %mul3A_484 : i32
          %add3A_486 = arith.constant 0 : i32
          %add3A_487 = arith.addi %mul3A_485, %add3A_486 : i32
          %get3A_488 = arith.index_cast %shift_right_logical3A_481 : i32 to index
          %get3A_489 = arith.index_cast %add3A_487 : i32 to index
          %get3A_490 = tpu.vector_load %arg5[%get3A_488, %get3A_489] {strides = array<i32>} : memref<72x128xi32, #tpu.memory_space<vmem>>, vector<1x16xi32>,
          %get3A_491 = vector.shape_cast %get3A_490 : vector<1x16xi32> to vector<16xi32>
          %convert_element_type3A_492 = arith.sitofp %get3A_491 : vector<16xi32> to vector<16xf32>
          %mul3A_493 = vector.broadcast %mul3A_477 : f32 to vector<16xf32>
          %mul3A_494 = arith.mulf %mul3A_493, %convert_element_type3A_492 : vector<16xf32>
          %mul3A_495 = arith.constant 16 : i32
          %mul3A_496 = arith.muli %scan3A_49, %mul3A_495 : i32
          %add3A_497 = arith.constant 8 : i32
          %add3A_498 = arith.addi %mul3A_496, %add3A_497 : i32
          %swap3A_499 = arith.index_cast %add3A_498 : i32 to index
          %swap3A_500 = arith.constant 0 : index
          %swap3A_501 = tpu.vector_load %arg9[%swap3A_499, %swap3A_500] {strides = array<i32>} : memref<128x32xf32, #tpu.memory_space<vmem>>, vector<1x16xf32>,
          %swap3A_502 = vector.shape_cast %swap3A_501 : vector<1x16xf32> to vector<16xf32>
          %swap3A_503 = vector.shape_cast %mul3A_494 : vector<16xf32> to vector<1x16xf32>
          tpu.vector_store %arg9[%swap3A_499, %swap3A_500], %swap3A_503 {strides = array<i32>} : memref<128x32xf32, #tpu.memory_space<vmem>>, vector<1x16xf32>,
          %add3A_504 = arith.constant 16 : i32
          %add3A_505 = arith.addi %mul3A_485, %add3A_504 : i32
          %get3A_506 = arith.index_cast %shift_right_logical3A_481 : i32 to index
          %get3A_507 = arith.index_cast %add3A_505 : i32 to index
          %get3A_508 = tpu.vector_load %arg5[%get3A_506, %get3A_507] {strides = array<i32>} : memref<72x128xi32, #tpu.memory_space<vmem>>, vector<1x16xi32>,
          %get3A_509 = vector.shape_cast %get3A_508 : vector<1x16xi32> to vector<16xi32>
          %convert_element_type3A_510 = arith.sitofp %get3A_509 : vector<16xi32> to vector<16xf32>
          %mul3A_511 = vector.broadcast %mul3A_477 : f32 to vector<16xf32>
          %mul3A_512 = arith.mulf %mul3A_511, %convert_element_type3A_510 : vector<16xf32>
          %mul3A_513 = arith.constant 16 : i32
          %mul3A_514 = arith.muli %scan3A_49, %mul3A_513 : i32
          %add3A_515 = arith.constant 8 : i32
          %add3A_516 = arith.addi %mul3A_514, %add3A_515 : i32
          %swap3A_517 = arith.index_cast %add3A_516 : i32 to index
          %swap3A_518 = arith.constant 16 : index
          %swap3A_519 = tpu.vector_load %arg9[%swap3A_517, %swap3A_518] {strides = array<i32>} : memref<128x32xf32, #tpu.memory_space<vmem>>, vector<1x16xf32>,
          %swap3A_520 = vector.shape_cast %swap3A_519 : vector<1x16xf32> to vector<16xf32>
          %swap3A_521 = vector.shape_cast %mul3A_512 : vector<16xf32> to vector<1x16xf32>
          tpu.vector_store %arg9[%swap3A_517, %swap3A_518], %swap3A_521 {strides = array<i32>} : memref<128x32xf32, #tpu.memory_space<vmem>>, vector<1x16xf32>,
          %slice3A_522 = vector.extract_strided_slice %get3A_55 {offsets = [9], sizes = [1], strides = [1]} : vector<16xi32> to vector<1xi32>
          %squeeze3A_523 = vector.extract %slice3A_522[0] : i32 from vector<1xi32>
          %and3A_524 = arith.constant 65535 : i32
          %and3A_525 = arith.andi %squeeze3A_523, %and3A_524 : i32
          %convert_element_type3A_526 = arith.sitofp %and3A_525 : i32 to f32
          %mul3A_527 = arith.constant 1.45521373E-11 : f32
          %mul3A_528 = arith.mulf %convert_element_type3A_526, %mul3A_527 : f32
          %slice3A_529 = vector.extract_strided_slice %get3A_66 {offsets = [9], sizes = [1], strides = [1]} : vector<16xi32> to vector<1xi32>
          %squeeze3A_530 = vector.extract %slice3A_529[0] : i32 from vector<1xi32>
          %shift_right_logical3A_531 = arith.constant 2 : i32
          %shift_right_logical3A_532 = arith.shrui %squeeze3A_530, %shift_right_logical3A_531 : i32
          %and3A_533 = arith.constant 3 : i32
          %and3A_534 = arith.andi %squeeze3A_530, %and3A_533 : i32
          %mul3A_535 = arith.constant 32 : i32
          %mul3A_536 = arith.muli %and3A_534, %mul3A_535 : i32
          %add3A_537 = arith.constant 0 : i32
          %add3A_538 = arith.addi %mul3A_536, %add3A_537 : i32
          %get3A_539 = arith.index_cast %shift_right_logical3A_532 : i32 to index
          %get3A_540 = arith.index_cast %add3A_538 : i32 to index
          %get3A_541 = tpu.vector_load %arg5[%get3A_539, %get3A_540] {strides = array<i32>} : memref<72x128xi32, #tpu.memory_space<vmem>>, vector<1x16xi32>,
          %get3A_542 = vector.shape_cast %get3A_541 : vector<1x16xi32> to vector<16xi32>
          %convert_element_type3A_543 = arith.sitofp %get3A_542 : vector<16xi32> to vector<16xf32>
          %mul3A_544 = vector.broadcast %mul3A_528 : f32 to vector<16xf32>
          %mul3A_545 = arith.mulf %mul3A_544, %convert_element_type3A_543 : vector<16xf32>
          %mul3A_546 = arith.constant 16 : i32
          %mul3A_547 = arith.muli %scan3A_49, %mul3A_546 : i32
          %add3A_548 = arith.constant 9 : i32
          %add3A_549 = arith.addi %mul3A_547, %add3A_548 : i32
          %swap3A_550 = arith.index_cast %add3A_549 : i32 to index
          %swap3A_551 = arith.constant 0 : index
          %swap3A_552 = tpu.vector_load %arg9[%swap3A_550, %swap3A_551] {strides = array<i32>} : memref<128x32xf32, #tpu.memory_space<vmem>>, vector<1x16xf32>,
          %swap3A_553 = vector.shape_cast %swap3A_552 : vector<1x16xf32> to vector<16xf32>
          %swap3A_554 = vector.shape_cast %mul3A_545 : vector<16xf32> to vector<1x16xf32>
          tpu.vector_store %arg9[%swap3A_550, %swap3A_551], %swap3A_554 {strides = array<i32>} : memref<128x32xf32, #tpu.memory_space<vmem>>, vector<1x16xf32>,
          %add3A_555 = arith.constant 16 : i32
          %add3A_556 = arith.addi %mul3A_536, %add3A_555 : i32
          %get3A_557 = arith.index_cast %shift_right_logical3A_532 : i32 to index
          %get3A_558 = arith.index_cast %add3A_556 : i32 to index
          %get3A_559 = tpu.vector_load %arg5[%get3A_557, %get3A_558] {strides = array<i32>} : memref<72x128xi32, #tpu.memory_space<vmem>>, vector<1x16xi32>,
          %get3A_560 = vector.shape_cast %get3A_559 : vector<1x16xi32> to vector<16xi32>
          %convert_element_type3A_561 = arith.sitofp %get3A_560 : vector<16xi32> to vector<16xf32>
          %mul3A_562 = vector.broadcast %mul3A_528 : f32 to vector<16xf32>
          %mul3A_563 = arith.mulf %mul3A_562, %convert_element_type3A_561 : vector<16xf32>
          %mul3A_564 = arith.constant 16 : i32
          %mul3A_565 = arith.muli %scan3A_49, %mul3A_564 : i32
          %add3A_566 = arith.constant 9 : i32
          %add3A_567 = arith.addi %mul3A_565, %add3A_566 : i32
          %swap3A_568 = arith.index_cast %add3A_567 : i32 to index
          %swap3A_569 = arith.constant 16 : index
          %swap3A_570 = tpu.vector_load %arg9[%swap3A_568, %swap3A_569] {strides = array<i32>} : memref<128x32xf32, #tpu.memory_space<vmem>>, vector<1x16xf32>,
          %swap3A_571 = vector.shape_cast %swap3A_570 : vector<1x16xf32> to vector<16xf32>
          %swap3A_572 = vector.shape_cast %mul3A_563 : vector<16xf32> to vector<1x16xf32>
          tpu.vector_store %arg9[%swap3A_568, %swap3A_569], %swap3A_572 {strides = array<i32>} : memref<128x32xf32, #tpu.memory_space<vmem>>, vector<1x16xf32>,
          %slice3A_573 = vector.extract_strided_slice %get3A_55 {offsets = [10], sizes = [1], strides = [1]} : vector<16xi32> to vector<1xi32>
          %squeeze3A_574 = vector.extract %slice3A_573[0] : i32 from vector<1xi32>
          %and3A_575 = arith.constant 65535 : i32
          %and3A_576 = arith.andi %squeeze3A_574, %and3A_575 : i32
          %convert_element_type3A_577 = arith.sitofp %and3A_576 : i32 to f32
          %mul3A_578 = arith.constant 1.45521373E-11 : f32
          %mul3A_579 = arith.mulf %convert_element_type3A_577, %mul3A_578 : f32
          %slice3A_580 = vector.extract_strided_slice %get3A_66 {offsets = [10], sizes = [1], strides = [1]} : vector<16xi32> to vector<1xi32>
          %squeeze3A_581 = vector.extract %slice3A_580[0] : i32 from vector<1xi32>
          %shift_right_logical3A_582 = arith.constant 2 : i32
          %shift_right_logical3A_583 = arith.shrui %squeeze3A_581, %shift_right_logical3A_582 : i32
          %and3A_584 = arith.constant 3 : i32
          %and3A_585 = arith.andi %squeeze3A_581, %and3A_584 : i32
          %mul3A_586 = arith.constant 32 : i32
          %mul3A_587 = arith.muli %and3A_585, %mul3A_586 : i32
          %add3A_588 = arith.constant 0 : i32
          %add3A_589 = arith.addi %mul3A_587, %add3A_588 : i32
          %get3A_590 = arith.index_cast %shift_right_logical3A_583 : i32 to index
          %get3A_591 = arith.index_cast %add3A_589 : i32 to index
          %get3A_592 = tpu.vector_load %arg5[%get3A_590, %get3A_591] {strides = array<i32>} : memref<72x128xi32, #tpu.memory_space<vmem>>, vector<1x16xi32>,
          %get3A_593 = vector.shape_cast %get3A_592 : vector<1x16xi32> to vector<16xi32>
          %convert_element_type3A_594 = arith.sitofp %get3A_593 : vector<16xi32> to vector<16xf32>
          %mul3A_595 = vector.broadcast %mul3A_579 : f32 to vector<16xf32>
          %mul3A_596 = arith.mulf %mul3A_595, %convert_element_type3A_594 : vector<16xf32>
          %mul3A_597 = arith.constant 16 : i32
          %mul3A_598 = arith.muli %scan3A_49, %mul3A_597 : i32
          %add3A_599 = arith.constant 10 : i32
          %add3A_600 = arith.addi %mul3A_598, %add3A_599 : i32
          %swap3A_601 = arith.index_cast %add3A_600 : i32 to index
          %swap3A_602 = arith.constant 0 : index
          %swap3A_603 = tpu.vector_load %arg9[%swap3A_601, %swap3A_602] {strides = array<i32>} : memref<128x32xf32, #tpu.memory_space<vmem>>, vector<1x16xf32>,
          %swap3A_604 = vector.shape_cast %swap3A_603 : vector<1x16xf32> to vector<16xf32>
          %swap3A_605 = vector.shape_cast %mul3A_596 : vector<16xf32> to vector<1x16xf32>
          tpu.vector_store %arg9[%swap3A_601, %swap3A_602], %swap3A_605 {strides = array<i32>} : memref<128x32xf32, #tpu.memory_space<vmem>>, vector<1x16xf32>,
          %add3A_606 = arith.constant 16 : i32
          %add3A_607 = arith.addi %mul3A_587, %add3A_606 : i32
          %get3A_608 = arith.index_cast %shift_right_logical3A_583 : i32 to index
          %get3A_609 = arith.index_cast %add3A_607 : i32 to index
          %get3A_610 = tpu.vector_load %arg5[%get3A_608, %get3A_609] {strides = array<i32>} : memref<72x128xi32, #tpu.memory_space<vmem>>, vector<1x16xi32>,
          %get3A_611 = vector.shape_cast %get3A_610 : vector<1x16xi32> to vector<16xi32>
          %convert_element_type3A_612 = arith.sitofp %get3A_611 : vector<16xi32> to vector<16xf32>
          %mul3A_613 = vector.broadcast %mul3A_579 : f32 to vector<16xf32>
          %mul3A_614 = arith.mulf %mul3A_613, %convert_element_type3A_612 : vector<16xf32>
          %mul3A_615 = arith.constant 16 : i32
          %mul3A_616 = arith.muli %scan3A_49, %mul3A_615 : i32
          %add3A_617 = arith.constant 10 : i32
          %add3A_618 = arith.addi %mul3A_616, %add3A_617 : i32
          %swap3A_619 = arith.index_cast %add3A_618 : i32 to index
          %swap3A_620 = arith.constant 16 : index
          %swap3A_621 = tpu.vector_load %arg9[%swap3A_619, %swap3A_620] {strides = array<i32>} : memref<128x32xf32, #tpu.memory_space<vmem>>, vector<1x16xf32>,
          %swap3A_622 = vector.shape_cast %swap3A_621 : vector<1x16xf32> to vector<16xf32>
          %swap3A_623 = vector.shape_cast %mul3A_614 : vector<16xf32> to vector<1x16xf32>
          tpu.vector_store %arg9[%swap3A_619, %swap3A_620], %swap3A_623 {strides = array<i32>} : memref<128x32xf32, #tpu.memory_space<vmem>>, vector<1x16xf32>,
          %slice3A_624 = vector.extract_strided_slice %get3A_55 {offsets = [11], sizes = [1], strides = [1]} : vector<16xi32> to vector<1xi32>
          %squeeze3A_625 = vector.extract %slice3A_624[0] : i32 from vector<1xi32>
          %and3A_626 = arith.constant 65535 : i32
          %and3A_627 = arith.andi %squeeze3A_625, %and3A_626 : i32
          %convert_element_type3A_628 = arith.sitofp %and3A_627 : i32 to f32
          %mul3A_629 = arith.constant 1.45521373E-11 : f32
          %mul3A_630 = arith.mulf %convert_element_type3A_628, %mul3A_629 : f32
          %slice3A_631 = vector.extract_strided_slice %get3A_66 {offsets = [11], sizes = [1], strides = [1]} : vector<16xi32> to vector<1xi32>
          %squeeze3A_632 = vector.extract %slice3A_631[0] : i32 from vector<1xi32>
          %shift_right_logical3A_633 = arith.constant 2 : i32
          %shift_right_logical3A_634 = arith.shrui %squeeze3A_632, %shift_right_logical3A_633 : i32
          %and3A_635 = arith.constant 3 : i32
          %and3A_636 = arith.andi %squeeze3A_632, %and3A_635 : i32
          %mul3A_637 = arith.constant 32 : i32
          %mul3A_638 = arith.muli %and3A_636, %mul3A_637 : i32
          %add3A_639 = arith.constant 0 : i32
          %add3A_640 = arith.addi %mul3A_638, %add3A_639 : i32
          %get3A_641 = arith.index_cast %shift_right_logical3A_634 : i32 to index
          %get3A_642 = arith.index_cast %add3A_640 : i32 to index
          %get3A_643 = tpu.vector_load %arg5[%get3A_641, %get3A_642] {strides = array<i32>} : memref<72x128xi32, #tpu.memory_space<vmem>>, vector<1x16xi32>,
          %get3A_644 = vector.shape_cast %get3A_643 : vector<1x16xi32> to vector<16xi32>
          %convert_element_type3A_645 = arith.sitofp %get3A_644 : vector<16xi32> to vector<16xf32>
          %mul3A_646 = vector.broadcast %mul3A_630 : f32 to vector<16xf32>
          %mul3A_647 = arith.mulf %mul3A_646, %convert_element_type3A_645 : vector<16xf32>
          %mul3A_648 = arith.constant 16 : i32
          %mul3A_649 = arith.muli %scan3A_49, %mul3A_648 : i32
          %add3A_650 = arith.constant 11 : i32
          %add3A_651 = arith.addi %mul3A_649, %add3A_650 : i32
          %swap3A_652 = arith.index_cast %add3A_651 : i32 to index
          %swap3A_653 = arith.constant 0 : index
          %swap3A_654 = tpu.vector_load %arg9[%swap3A_652, %swap3A_653] {strides = array<i32>} : memref<128x32xf32, #tpu.memory_space<vmem>>, vector<1x16xf32>,
          %swap3A_655 = vector.shape_cast %swap3A_654 : vector<1x16xf32> to vector<16xf32>
          %swap3A_656 = vector.shape_cast %mul3A_647 : vector<16xf32> to vector<1x16xf32>
          tpu.vector_store %arg9[%swap3A_652, %swap3A_653], %swap3A_656 {strides = array<i32>} : memref<128x32xf32, #tpu.memory_space<vmem>>, vector<1x16xf32>,
          %add3A_657 = arith.constant 16 : i32
          %add3A_658 = arith.addi %mul3A_638, %add3A_657 : i32
          %get3A_659 = arith.index_cast %shift_right_logical3A_634 : i32 to index
          %get3A_660 = arith.index_cast %add3A_658 : i32 to index
          %get3A_661 = tpu.vector_load %arg5[%get3A_659, %get3A_660] {strides = array<i32>} : memref<72x128xi32, #tpu.memory_space<vmem>>, vector<1x16xi32>,
          %get3A_662 = vector.shape_cast %get3A_661 : vector<1x16xi32> to vector<16xi32>
          %convert_element_type3A_663 = arith.sitofp %get3A_662 : vector<16xi32> to vector<16xf32>
          %mul3A_664 = vector.broadcast %mul3A_630 : f32 to vector<16xf32>
          %mul3A_665 = arith.mulf %mul3A_664, %convert_element_type3A_663 : vector<16xf32>
          %mul3A_666 = arith.constant 16 : i32
          %mul3A_667 = arith.muli %scan3A_49, %mul3A_666 : i32
          %add3A_668 = arith.constant 11 : i32
          %add3A_669 = arith.addi %mul3A_667, %add3A_668 : i32
          %swap3A_670 = arith.index_cast %add3A_669 : i32 to index
          %swap3A_671 = arith.constant 16 : index
          %swap3A_672 = tpu.vector_load %arg9[%swap3A_670, %swap3A_671] {strides = array<i32>} : memref<128x32xf32, #tpu.memory_space<vmem>>, vector<1x16xf32>,
          %swap3A_673 = vector.shape_cast %swap3A_672 : vector<1x16xf32> to vector<16xf32>
          %swap3A_674 = vector.shape_cast %mul3A_665 : vector<16xf32> to vector<1x16xf32>
          tpu.vector_store %arg9[%swap3A_670, %swap3A_671], %swap3A_674 {strides = array<i32>} : memref<128x32xf32, #tpu.memory_space<vmem>>, vector<1x16xf32>,
          %slice3A_675 = vector.extract_strided_slice %get3A_55 {offsets = [12], sizes = [1], strides = [1]} : vector<16xi32> to vector<1xi32>
          %squeeze3A_676 = vector.extract %slice3A_675[0] : i32 from vector<1xi32>
          %and3A_677 = arith.constant 65535 : i32
          %and3A_678 = arith.andi %squeeze3A_676, %and3A_677 : i32
          %convert_element_type3A_679 = arith.sitofp %and3A_678 : i32 to f32
          %mul3A_680 = arith.constant 1.45521373E-11 : f32
          %mul3A_681 = arith.mulf %convert_element_type3A_679, %mul3A_680 : f32
          %slice3A_682 = vector.extract_strided_slice %get3A_66 {offsets = [12], sizes = [1], strides = [1]} : vector<16xi32> to vector<1xi32>
          %squeeze3A_683 = vector.extract %slice3A_682[0] : i32 from vector<1xi32>
          %shift_right_logical3A_684 = arith.constant 2 : i32
          %shift_right_logical3A_685 = arith.shrui %squeeze3A_683, %shift_right_logical3A_684 : i32
          %and3A_686 = arith.constant 3 : i32
          %and3A_687 = arith.andi %squeeze3A_683, %and3A_686 : i32
          %mul3A_688 = arith.constant 32 : i32
          %mul3A_689 = arith.muli %and3A_687, %mul3A_688 : i32
          %add3A_690 = arith.constant 0 : i32
          %add3A_691 = arith.addi %mul3A_689, %add3A_690 : i32
          %get3A_692 = arith.index_cast %shift_right_logical3A_685 : i32 to index
          %get3A_693 = arith.index_cast %add3A_691 : i32 to index
          %get3A_694 = tpu.vector_load %arg5[%get3A_692, %get3A_693] {strides = array<i32>} : memref<72x128xi32, #tpu.memory_space<vmem>>, vector<1x16xi32>,
          %get3A_695 = vector.shape_cast %get3A_694 : vector<1x16xi32> to vector<16xi32>
          %convert_element_type3A_696 = arith.sitofp %get3A_695 : vector<16xi32> to vector<16xf32>
          %mul3A_697 = vector.broadcast %mul3A_681 : f32 to vector<16xf32>
          %mul3A_698 = arith.mulf %mul3A_697, %convert_element_type3A_696 : vector<16xf32>
          %mul3A_699 = arith.constant 16 : i32
          %mul3A_700 = arith.muli %scan3A_49, %mul3A_699 : i32
          %add3A_701 = arith.constant 12 : i32
          %add3A_702 = arith.addi %mul3A_700, %add3A_701 : i32
          %swap3A_703 = arith.index_cast %add3A_702 : i32 to index
          %swap3A_704 = arith.constant 0 : index
          %swap3A_705 = tpu.vector_load %arg9[%swap3A_703, %swap3A_704] {strides = array<i32>} : memref<128x32xf32, #tpu.memory_space<vmem>>, vector<1x16xf32>,
          %swap3A_706 = vector.shape_cast %swap3A_705 : vector<1x16xf32> to vector<16xf32>
          %swap3A_707 = vector.shape_cast %mul3A_698 : vector<16xf32> to vector<1x16xf32>
          tpu.vector_store %arg9[%swap3A_703, %swap3A_704], %swap3A_707 {strides = array<i32>} : memref<128x32xf32, #tpu.memory_space<vmem>>, vector<1x16xf32>,
          %add3A_708 = arith.constant 16 : i32
          %add3A_709 = arith.addi %mul3A_689, %add3A_708 : i32
          %get3A_710 = arith.index_cast %shift_right_logical3A_685 : i32 to index
          %get3A_711 = arith.index_cast %add3A_709 : i32 to index
          %get3A_712 = tpu.vector_load %arg5[%get3A_710, %get3A_711] {strides = array<i32>} : memref<72x128xi32, #tpu.memory_space<vmem>>, vector<1x16xi32>,
          %get3A_713 = vector.shape_cast %get3A_712 : vector<1x16xi32> to vector<16xi32>
          %convert_element_type3A_714 = arith.sitofp %get3A_713 : vector<16xi32> to vector<16xf32>
          %mul3A_715 = vector.broadcast %mul3A_681 : f32 to vector<16xf32>
          %mul3A_716 = arith.mulf %mul3A_715, %convert_element_type3A_714 : vector<16xf32>
          %mul3A_717 = arith.constant 16 : i32
          %mul3A_718 = arith.muli %scan3A_49, %mul3A_717 : i32
          %add3A_719 = arith.constant 12 : i32
          %add3A_720 = arith.addi %mul3A_718, %add3A_719 : i32
          %swap3A_721 = arith.index_cast %add3A_720 : i32 to index
          %swap3A_722 = arith.constant 16 : index
          %swap3A_723 = tpu.vector_load %arg9[%swap3A_721, %swap3A_722] {strides = array<i32>} : memref<128x32xf32, #tpu.memory_space<vmem>>, vector<1x16xf32>,
          %swap3A_724 = vector.shape_cast %swap3A_723 : vector<1x16xf32> to vector<16xf32>
          %swap3A_725 = vector.shape_cast %mul3A_716 : vector<16xf32> to vector<1x16xf32>
          tpu.vector_store %arg9[%swap3A_721, %swap3A_722], %swap3A_725 {strides = array<i32>} : memref<128x32xf32, #tpu.memory_space<vmem>>, vector<1x16xf32>,
          %slice3A_726 = vector.extract_strided_slice %get3A_55 {offsets = [13], sizes = [1], strides = [1]} : vector<16xi32> to vector<1xi32>
          %squeeze3A_727 = vector.extract %slice3A_726[0] : i32 from vector<1xi32>
          %and3A_728 = arith.constant 65535 : i32
          %and3A_729 = arith.andi %squeeze3A_727, %and3A_728 : i32
          %convert_element_type3A_730 = arith.sitofp %and3A_729 : i32 to f32
          %mul3A_731 = arith.constant 1.45521373E-11 : f32
          %mul3A_732 = arith.mulf %convert_element_type3A_730, %mul3A_731 : f32
          %slice3A_733 = vector.extract_strided_slice %get3A_66 {offsets = [13], sizes = [1], strides = [1]} : vector<16xi32> to vector<1xi32>
          %squeeze3A_734 = vector.extract %slice3A_733[0] : i32 from vector<1xi32>
          %shift_right_logical3A_735 = arith.constant 2 : i32
          %shift_right_logical3A_736 = arith.shrui %squeeze3A_734, %shift_right_logical3A_735 : i32
          %and3A_737 = arith.constant 3 : i32
          %and3A_738 = arith.andi %squeeze3A_734, %and3A_737 : i32
          %mul3A_739 = arith.constant 32 : i32
          %mul3A_740 = arith.muli %and3A_738, %mul3A_739 : i32
          %add3A_741 = arith.constant 0 : i32
          %add3A_742 = arith.addi %mul3A_740, %add3A_741 : i32
          %get3A_743 = arith.index_cast %shift_right_logical3A_736 : i32 to index
          %get3A_744 = arith.index_cast %add3A_742 : i32 to index
          %get3A_745 = tpu.vector_load %arg5[%get3A_743, %get3A_744] {strides = array<i32>} : memref<72x128xi32, #tpu.memory_space<vmem>>, vector<1x16xi32>,
          %get3A_746 = vector.shape_cast %get3A_745 : vector<1x16xi32> to vector<16xi32>
          %convert_element_type3A_747 = arith.sitofp %get3A_746 : vector<16xi32> to vector<16xf32>
          %mul3A_748 = vector.broadcast %mul3A_732 : f32 to vector<16xf32>
          %mul3A_749 = arith.mulf %mul3A_748, %convert_element_type3A_747 : vector<16xf32>
          %mul3A_750 = arith.constant 16 : i32
          %mul3A_751 = arith.muli %scan3A_49, %mul3A_750 : i32
          %add3A_752 = arith.constant 13 : i32
          %add3A_753 = arith.addi %mul3A_751, %add3A_752 : i32
          %swap3A_754 = arith.index_cast %add3A_753 : i32 to index
          %swap3A_755 = arith.constant 0 : index
          %swap3A_756 = tpu.vector_load %arg9[%swap3A_754, %swap3A_755] {strides = array<i32>} : memref<128x32xf32, #tpu.memory_space<vmem>>, vector<1x16xf32>,
          %swap3A_757 = vector.shape_cast %swap3A_756 : vector<1x16xf32> to vector<16xf32>
          %swap3A_758 = vector.shape_cast %mul3A_749 : vector<16xf32> to vector<1x16xf32>
          tpu.vector_store %arg9[%swap3A_754, %swap3A_755], %swap3A_758 {strides = array<i32>} : memref<128x32xf32, #tpu.memory_space<vmem>>, vector<1x16xf32>,
          %add3A_759 = arith.constant 16 : i32
          %add3A_760 = arith.addi %mul3A_740, %add3A_759 : i32
          %get3A_761 = arith.index_cast %shift_right_logical3A_736 : i32 to index
          %get3A_762 = arith.index_cast %add3A_760 : i32 to index
          %get3A_763 = tpu.vector_load %arg5[%get3A_761, %get3A_762] {strides = array<i32>} : memref<72x128xi32, #tpu.memory_space<vmem>>, vector<1x16xi32>,
          %get3A_764 = vector.shape_cast %get3A_763 : vector<1x16xi32> to vector<16xi32>
          %convert_element_type3A_765 = arith.sitofp %get3A_764 : vector<16xi32> to vector<16xf32>
          %mul3A_766 = vector.broadcast %mul3A_732 : f32 to vector<16xf32>
          %mul3A_767 = arith.mulf %mul3A_766, %convert_element_type3A_765 : vector<16xf32>
          %mul3A_768 = arith.constant 16 : i32
          %mul3A_769 = arith.muli %scan3A_49, %mul3A_768 : i32
          %add3A_770 = arith.constant 13 : i32
          %add3A_771 = arith.addi %mul3A_769, %add3A_770 : i32
          %swap3A_772 = arith.index_cast %add3A_771 : i32 to index
          %swap3A_773 = arith.constant 16 : index
          %swap3A_774 = tpu.vector_load %arg9[%swap3A_772, %swap3A_773] {strides = array<i32>} : memref<128x32xf32, #tpu.memory_space<vmem>>, vector<1x16xf32>,
          %swap3A_775 = vector.shape_cast %swap3A_774 : vector<1x16xf32> to vector<16xf32>
          %swap3A_776 = vector.shape_cast %mul3A_767 : vector<16xf32> to vector<1x16xf32>
          tpu.vector_store %arg9[%swap3A_772, %swap3A_773], %swap3A_776 {strides = array<i32>} : memref<128x32xf32, #tpu.memory_space<vmem>>, vector<1x16xf32>,
          %slice3A_777 = vector.extract_strided_slice %get3A_55 {offsets = [14], sizes = [1], strides = [1]} : vector<16xi32> to vector<1xi32>
          %squeeze3A_778 = vector.extract %slice3A_777[0] : i32 from vector<1xi32>
          %and3A_779 = arith.constant 65535 : i32
          %and3A_780 = arith.andi %squeeze3A_778, %and3A_779 : i32
          %convert_element_type3A_781 = arith.sitofp %and3A_780 : i32 to f32
          %mul3A_782 = arith.constant 1.45521373E-11 : f32
          %mul3A_783 = arith.mulf %convert_element_type3A_781, %mul3A_782 : f32
          %slice3A_784 = vector.extract_strided_slice %get3A_66 {offsets = [14], sizes = [1], strides = [1]} : vector<16xi32> to vector<1xi32>
          %squeeze3A_785 = vector.extract %slice3A_784[0] : i32 from vector<1xi32>
          %shift_right_logical3A_786 = arith.constant 2 : i32
          %shift_right_logical3A_787 = arith.shrui %squeeze3A_785, %shift_right_logical3A_786 : i32
          %and3A_788 = arith.constant 3 : i32
          %and3A_789 = arith.andi %squeeze3A_785, %and3A_788 : i32
          %mul3A_790 = arith.constant 32 : i32
          %mul3A_791 = arith.muli %and3A_789, %mul3A_790 : i32
          %add3A_792 = arith.constant 0 : i32
          %add3A_793 = arith.addi %mul3A_791, %add3A_792 : i32
          %get3A_794 = arith.index_cast %shift_right_logical3A_787 : i32 to index
          %get3A_795 = arith.index_cast %add3A_793 : i32 to index
          %get3A_796 = tpu.vector_load %arg5[%get3A_794, %get3A_795] {strides = array<i32>} : memref<72x128xi32, #tpu.memory_space<vmem>>, vector<1x16xi32>,
          %get3A_797 = vector.shape_cast %get3A_796 : vector<1x16xi32> to vector<16xi32>
          %convert_element_type3A_798 = arith.sitofp %get3A_797 : vector<16xi32> to vector<16xf32>
          %mul3A_799 = vector.broadcast %mul3A_783 : f32 to vector<16xf32>
          %mul3A_800 = arith.mulf %mul3A_799, %convert_element_type3A_798 : vector<16xf32>
          %mul3A_801 = arith.constant 16 : i32
          %mul3A_802 = arith.muli %scan3A_49, %mul3A_801 : i32
          %add3A_803 = arith.constant 14 : i32
          %add3A_804 = arith.addi %mul3A_802, %add3A_803 : i32
          %swap3A_805 = arith.index_cast %add3A_804 : i32 to index
          %swap3A_806 = arith.constant 0 : index
          %swap3A_807 = tpu.vector_load %arg9[%swap3A_805, %swap3A_806] {strides = array<i32>} : memref<128x32xf32, #tpu.memory_space<vmem>>, vector<1x16xf32>,
          %swap3A_808 = vector.shape_cast %swap3A_807 : vector<1x16xf32> to vector<16xf32>
          %swap3A_809 = vector.shape_cast %mul3A_800 : vector<16xf32> to vector<1x16xf32>
          tpu.vector_store %arg9[%swap3A_805, %swap3A_806], %swap3A_809 {strides = array<i32>} : memref<128x32xf32, #tpu.memory_space<vmem>>, vector<1x16xf32>,
          %add3A_810 = arith.constant 16 : i32
          %add3A_811 = arith.addi %mul3A_791, %add3A_810 : i32
          %get3A_812 = arith.index_cast %shift_right_logical3A_787 : i32 to index
          %get3A_813 = arith.index_cast %add3A_811 : i32 to index
          %get3A_814 = tpu.vector_load %arg5[%get3A_812, %get3A_813] {strides = array<i32>} : memref<72x128xi32, #tpu.memory_space<vmem>>, vector<1x16xi32>,
          %get3A_815 = vector.shape_cast %get3A_814 : vector<1x16xi32> to vector<16xi32>
          %convert_element_type3A_816 = arith.sitofp %get3A_815 : vector<16xi32> to vector<16xf32>
          %mul3A_817 = vector.broadcast %mul3A_783 : f32 to vector<16xf32>
          %mul3A_818 = arith.mulf %mul3A_817, %convert_element_type3A_816 : vector<16xf32>
          %mul3A_819 = arith.constant 16 : i32
          %mul3A_820 = arith.muli %scan3A_49, %mul3A_819 : i32
          %add3A_821 = arith.constant 14 : i32
          %add3A_822 = arith.addi %mul3A_820, %add3A_821 : i32
          %swap3A_823 = arith.index_cast %add3A_822 : i32 to index
          %swap3A_824 = arith.constant 16 : index
          %swap3A_825 = tpu.vector_load %arg9[%swap3A_823, %swap3A_824] {strides = array<i32>} : memref<128x32xf32, #tpu.memory_space<vmem>>, vector<1x16xf32>,
          %swap3A_826 = vector.shape_cast %swap3A_825 : vector<1x16xf32> to vector<16xf32>
          %swap3A_827 = vector.shape_cast %mul3A_818 : vector<16xf32> to vector<1x16xf32>
          tpu.vector_store %arg9[%swap3A_823, %swap3A_824], %swap3A_827 {strides = array<i32>} : memref<128x32xf32, #tpu.memory_space<vmem>>, vector<1x16xf32>,
          %slice3A_828 = vector.extract_strided_slice %get3A_55 {offsets = [15], sizes = [1], strides = [1]} : vector<16xi32> to vector<1xi32>
          %squeeze3A_829 = vector.extract %slice3A_828[0] : i32 from vector<1xi32>
          %and3A_830 = arith.constant 65535 : i32
          %and3A_831 = arith.andi %squeeze3A_829, %and3A_830 : i32
          %convert_element_type3A_832 = arith.sitofp %and3A_831 : i32 to f32
          %mul3A_833 = arith.constant 1.45521373E-11 : f32
          %mul3A_834 = arith.mulf %convert_element_type3A_832, %mul3A_833 : f32
          %slice3A_835 = vector.extract_strided_slice %get3A_66 {offsets = [15], sizes = [1], strides = [1]} : vector<16xi32> to vector<1xi32>
          %squeeze3A_836 = vector.extract %slice3A_835[0] : i32 from vector<1xi32>
          %shift_right_logical3A_837 = arith.constant 2 : i32
          %shift_right_logical3A_838 = arith.shrui %squeeze3A_836, %shift_right_logical3A_837 : i32
          %and3A_839 = arith.constant 3 : i32
          %and3A_840 = arith.andi %squeeze3A_836, %and3A_839 : i32
          %mul3A_841 = arith.constant 32 : i32
          %mul3A_842 = arith.muli %and3A_840, %mul3A_841 : i32
          %add3A_843 = arith.constant 0 : i32
          %add3A_844 = arith.addi %mul3A_842, %add3A_843 : i32
          %get3A_845 = arith.index_cast %shift_right_logical3A_838 : i32 to index
          %get3A_846 = arith.index_cast %add3A_844 : i32 to index
          %get3A_847 = tpu.vector_load %arg5[%get3A_845, %get3A_846] {strides = array<i32>} : memref<72x128xi32, #tpu.memory_space<vmem>>, vector<1x16xi32>,
          %get3A_848 = vector.shape_cast %get3A_847 : vector<1x16xi32> to vector<16xi32>
          %convert_element_type3A_849 = arith.sitofp %get3A_848 : vector<16xi32> to vector<16xf32>
          %mul3A_850 = vector.broadcast %mul3A_834 : f32 to vector<16xf32>
          %mul3A_851 = arith.mulf %mul3A_850, %convert_element_type3A_849 : vector<16xf32>
          %mul3A_852 = arith.constant 16 : i32
          %mul3A_853 = arith.muli %scan3A_49, %mul3A_852 : i32
          %add3A_854 = arith.constant 15 : i32
          %add3A_855 = arith.addi %mul3A_853, %add3A_854 : i32
          %swap3A_856 = arith.index_cast %add3A_855 : i32 to index
          %swap3A_857 = arith.constant 0 : index
          %swap3A_858 = tpu.vector_load %arg9[%swap3A_856, %swap3A_857] {strides = array<i32>} : memref<128x32xf32, #tpu.memory_space<vmem>>, vector<1x16xf32>,
          %swap3A_859 = vector.shape_cast %swap3A_858 : vector<1x16xf32> to vector<16xf32>
          %swap3A_860 = vector.shape_cast %mul3A_851 : vector<16xf32> to vector<1x16xf32>
          tpu.vector_store %arg9[%swap3A_856, %swap3A_857], %swap3A_860 {strides = array<i32>} : memref<128x32xf32, #tpu.memory_space<vmem>>, vector<1x16xf32>,
          %add3A_861 = arith.constant 16 : i32
          %add3A_862 = arith.addi %mul3A_842, %add3A_861 : i32
          %get3A_863 = arith.index_cast %shift_right_logical3A_838 : i32 to index
          %get3A_864 = arith.index_cast %add3A_862 : i32 to index
          %get3A_865 = tpu.vector_load %arg5[%get3A_863, %get3A_864] {strides = array<i32>} : memref<72x128xi32, #tpu.memory_space<vmem>>, vector<1x16xi32>,
          %get3A_866 = vector.shape_cast %get3A_865 : vector<1x16xi32> to vector<16xi32>
          %convert_element_type3A_867 = arith.sitofp %get3A_866 : vector<16xi32> to vector<16xf32>
          %mul3A_868 = vector.broadcast %mul3A_834 : f32 to vector<16xf32>
          %mul3A_869 = arith.mulf %mul3A_868, %convert_element_type3A_867 : vector<16xf32>
          %mul3A_870 = arith.constant 16 : i32
          %mul3A_871 = arith.muli %scan3A_49, %mul3A_870 : i32
          %add3A_872 = arith.constant 15 : i32
          %add3A_873 = arith.addi %mul3A_871, %add3A_872 : i32
          %swap3A_874 = arith.index_cast %add3A_873 : i32 to index
          %swap3A_875 = arith.constant 16 : index
          %swap3A_876 = tpu.vector_load %arg9[%swap3A_874, %swap3A_875] {strides = array<i32>} : memref<128x32xf32, #tpu.memory_space<vmem>>, vector<1x16xf32>,
          %swap3A_877 = vector.shape_cast %swap3A_876 : vector<1x16xf32> to vector<16xf32>
          %swap3A_878 = vector.shape_cast %mul3A_869 : vector<16xf32> to vector<1x16xf32>
          tpu.vector_store %arg9[%swap3A_874, %swap3A_875], %swap3A_878 {strides = array<i32>} : memref<128x32xf32, #tpu.memory_space<vmem>>, vector<1x16xf32>,
          %scan3A_879 = arith.constant 0 : i32
          scf.yield %scan3A_879 : i32
        }
        %scan3A_47 = arith.constant 8 : i32
        %run_scoped3A = arith.constant 0 : i32
        "tpu.region"() ({
          %run_scoped3A_49 = tpu.sem_alloc : memref<!tpu.dma_semaphore, #tpu.memory_space<semaphore_mem>>
          %dma_start3A = arith.constant 0 : i32
          %dma_start3A_50 = tpu.memref_slice %arg8[%run_scoped3A, %dma_start3A] : memref<1x128xi32, #tpu.memory_space<vmem>> -> memref<1x128xi32, #tpu.memory_space<vmem>>
          %dma_start3A_51 = tpu.memref_squeeze %dma_start3A_50 : memref<1x128xi32, #tpu.memory_space<vmem>> -> memref<128xi32, #tpu.memory_space<vmem>>
          %dma_start3A_52 = arith.constant 0 : i32
          %dma_start3A_53 = arith.constant 0 : i32
          %dma_start3A_54 = tpu.memref_slice %arg10[%dma_start3A_52, %dma_start3A_53] : memref<40192x32xf32, #tpu.memory_space<vmem_shared>> -> memref<40192x32xf32, #tpu.memory_space<vmem_shared>>
          tpu.enqueue_indirect_dma source(%arg9 : memref<128x32xf32, #tpu.memory_space<vmem>>) target(%dma_start3A_54 : memref<40192x32xf32, #tpu.memory_space<vmem_shared>>) offsets(%dma_start3A_51 : memref<128xi32, #tpu.memory_space<vmem>>) semaphore(%run_scoped3A_49 : memref<!tpu.dma_semaphore, #tpu.memory_space<semaphore_mem>>) {add = true}
          %dma_wait3A = arith.constant 0 : i32
          %dma_wait3A_55 = tpu.memref_slice %arg8[%run_scoped3A, %dma_wait3A] : memref<1x128xi32, #tpu.memory_space<vmem>> -> memref<1x128xi32, #tpu.memory_space<vmem>>
          %dma_wait3A_56 = tpu.memref_squeeze %dma_wait3A_55 : memref<1x128xi32, #tpu.memory_space<vmem>> -> memref<128xi32, #tpu.memory_space<vmem>>
          %dma_wait3A_57 = arith.constant 0 : i32
          %dma_wait3A_58 = arith.constant 0 : i32
          %dma_wait3A_59 = tpu.memref_slice %arg10[%dma_wait3A_57, %dma_wait3A_58] : memref<40192x32xf32, #tpu.memory_space<vmem_shared>> -> memref<40192x32xf32, #tpu.memory_space<vmem_shared>>
          tpu.wait_indirect_dma semaphore(%run_scoped3A_49 : memref<!tpu.dma_semaphore, #tpu.memory_space<semaphore_mem>>) src(%arg9 : memref<128x32xf32, #tpu.memory_space<vmem>>) dst(%dma_wait3A_59 : memref<40192x32xf32, #tpu.memory_space<vmem_shared>>)
          tpu.yield
        }) : () -> ()
        %scan3A_48 = arith.constant 0 : i32
        scf.yield %scan3A_48 : i32
      }
      %scan3A_31 = arith.constant 124 : i32
      %barrier3A_32 = arith.constant 0 : index
      tpu.barrier barrier_id(%barrier3A_32)
      %mul3A_33 = arith.constant 2512 : i32
      %mul3A_34 = arith.muli %arg1, %mul3A_33 : i32
      %mul3A_35 = arith.constant 2512 : i32
      %mul3A_36 = arith.muli %arg1, %mul3A_35 : i32
      "tpu.region"() ({
        %run_scoped3A = tpu.sem_alloc : memref<!tpu.dma_semaphore, #tpu.memory_space<semaphore_mem>>
        %dma_start3A = arith.constant 0 : i32
        %dma_start3A_39 = tpu.memref_slice %arg4[%arg0, %scan3A_11, %mul3A_36, %dma_start3A] : memref<2x2x40192x32xf32, #tpu.memory_space<hbm>> -> memref<1x1x2512x32xf32, #tpu.memory_space<hbm>>
        %dma_start3A_40 = tpu.memref_squeeze %dma_start3A_39 : memref<1x1x2512x32xf32, #tpu.memory_space<hbm>> -> memref<2512x32xf32, #tpu.memory_space<hbm>>
        %dma_start3A_41 = arith.constant 0 : i32
        %dma_start3A_42 = tpu.memref_slice %arg10[%mul3A_34, %dma_start3A_41] : memref<40192x32xf32, #tpu.memory_space<vmem_shared>> -> memref<2512x32xf32, #tpu.memory_space<vmem_shared>>
        tpu.enqueue_dma source(%dma_start3A_42 : memref<2512x32xf32, #tpu.memory_space<vmem_shared>>) target(%dma_start3A_40 : memref<2512x32xf32, #tpu.memory_space<hbm>>) target_semaphore(%run_scoped3A : memref<!tpu.dma_semaphore, #tpu.memory_space<semaphore_mem>>)
        %dma_wait3A = arith.constant 0 : i32
        %dma_wait3A_43 = tpu.memref_slice %arg4[%arg0, %scan3A_11, %mul3A_36, %dma_wait3A] : memref<2x2x40192x32xf32, #tpu.memory_space<hbm>> -> memref<1x1x2512x32xf32, #tpu.memory_space<hbm>>
        %dma_wait3A_44 = tpu.memref_squeeze %dma_wait3A_43 : memref<1x1x2512x32xf32, #tpu.memory_space<hbm>> -> memref<2512x32xf32, #tpu.memory_space<hbm>>
        %dma_wait3A_45 = arith.constant 0 : i32
        %dma_wait3A_46 = tpu.memref_slice %arg10[%mul3A_34, %dma_wait3A_45] : memref<40192x32xf32, #tpu.memory_space<vmem_shared>> -> memref<2512x32xf32, #tpu.memory_space<vmem_shared>>
        tpu.wait_dma2 semaphore(%run_scoped3A : memref<!tpu.dma_semaphore, #tpu.memory_space<semaphore_mem>>) src(%dma_wait3A_46 : memref<2512x32xf32, #tpu.memory_space<vmem_shared>>) dst(%dma_wait3A_44 : memref<2512x32xf32, #tpu.memory_space<hbm>>)
        tpu.yield
      }) : () -> ()
      %barrier3A_37 = arith.constant 0 : index
      tpu.barrier barrier_id(%barrier3A_37)
      %scan3A_38 = arith.constant 0 : i32
      scf.yield %scan3A_38 : i32
    }
    %scan3A_10 = arith.constant 2 : i32
    return
  }
}

module attributes {stable_mosaic.version = 14 : i64} {
  func.func @_enc_body(%arg0: i32, %arg1: memref<1x3x256x704xf32, #tpu.memory_space<vmem>>, %arg2: memref<124x3xf32, #tpu.memory_space<vmem>>, %arg3: memref<124x1xf32, #tpu.memory_space<vmem>>, %arg4: memref<1x3x60x16x44xf32, #tpu.memory_space<vmem>>, %arg5: memref<1x60x16x44xf32, #tpu.memory_space<vmem>>, %arg6: memref<1x64x16x44xf32, #tpu.memory_space<vmem>>, %arg7: memref<1x60x16x44xf32, #tpu.memory_space<vmem>>, %arg8: memref<1x60x16x44xi32, #tpu.memory_space<vmem>>) attributes {dimension_semantics = [#tpu.dimension_semantics<arbitrary>], iteration_bounds = array<i64: 12>, scalar_prefetch = 0 : i64, scratch_operands = 0 : i64, tpu.core_type = #tpu.core_type<tc>, window_params = [{transform_indices = @transform_0, window_bounds = array<i64: 1, 3, 256, 704>}, {pipeline_mode = #tpu.pipeline_mode<synchronous>, transform_indices = @transform_1, window_bounds = array<i64: 124, 3>}, {pipeline_mode = #tpu.pipeline_mode<synchronous>, transform_indices = @transform_2, window_bounds = array<i64: 124, 1>}, {transform_indices = @transform_3, window_bounds = array<i64: 1, 3, 60, 16, 44>}, {transform_indices = @transform_4, window_bounds = array<i64: 1, 60, 16, 44>}, {transform_indices = @transform_5, window_bounds = array<i64: 1, 64, 16, 44>}, {transform_indices = @transform_6, window_bounds = array<i64: 1, 60, 16, 44>}, {transform_indices = @transform_7, window_bounds = array<i64: 1, 60, 16, 44>}]} {
    %get3A = arith.constant 0 : index
    %get3A_0 = arith.constant 0 : index
    %get3A_1 = arith.constant 0 : index
    %get3A_2 = arith.constant 0 : index
    %get3A_3 = vector.load %arg1[%get3A, %get3A_0, %get3A_1, %get3A_2] : memref<1x3x256x704xf32, #tpu.memory_space<vmem>>, vector<1x3x256x704xf32>
    %get3A_4 = vector.shape_cast %get3A_3 : vector<1x3x256x704xf32> to vector<3x256x704xf32>
    %iota3A = tpu.iota {dimensions = array<i32: 0>} : vector<16x256xi32>
    %iota3A_5 = tpu.iota {dimensions = array<i32: 1>} : vector<16x256xi32>
    %jit3A = arith.constant 16 : i32
    %div3A = vector.broadcast %jit3A : i32 to vector<16x256xi32>
    %div3A_6 = arith.divsi %iota3A_5, %div3A : vector<16x256xi32>
    %sign3A = arith.constant 0 : i32
    %sign3A_7 = vector.broadcast %sign3A : i32 to vector<16x256xi32>
    %sign3A_8 = arith.cmpi sgt, %iota3A_5, %sign3A_7 : vector<16x256xi32>
    %sign3A_9 = arith.extui %sign3A_8 : vector<16x256xi1> to vector<16x256xi32>
    %sign3A_10 = arith.constant 0 : i32
    %sign3A_11 = vector.broadcast %sign3A_10 : i32 to vector<16x256xi32>
    %sign3A_12 = arith.cmpi slt, %iota3A_5, %sign3A_11 : vector<16x256xi32>
    %sign3A_13 = arith.extui %sign3A_12 : vector<16x256xi1> to vector<16x256xi32>
    %sign3A_14 = arith.subi %sign3A_9, %sign3A_13 : vector<16x256xi32>
    %sign3A_15 = arith.constant 0 : i32
    %sign3A_16 = arith.cmpi sgt, %jit3A, %sign3A_15 : i32
    %sign3A_17 = arith.extui %sign3A_16 : i1 to i32
    %sign3A_18 = arith.constant 0 : i32
    %sign3A_19 = arith.cmpi slt, %jit3A, %sign3A_18 : i32
    %sign3A_20 = arith.extui %sign3A_19 : i1 to i32
    %sign3A_21 = arith.subi %sign3A_17, %sign3A_20 : i32
    %ne3A = vector.broadcast %sign3A_21 : i32 to vector<16x256xi32>
    %ne3A_22 = arith.cmpi ne, %sign3A_14, %ne3A : vector<16x256xi32>
    %rem3A = vector.broadcast %jit3A : i32 to vector<16x256xi32>
    %rem3A_23 = arith.remsi %iota3A_5, %rem3A : vector<16x256xi32>
    %ne3A_24 = arith.constant 0 : i32
    %ne3A_25 = vector.broadcast %ne3A_24 : i32 to vector<16x256xi32>
    %ne3A_26 = arith.cmpi ne, %rem3A_23, %ne3A_25 : vector<16x256xi32>
    %and3A = arith.andi %ne3A_22, %ne3A_26 : vector<16x256xi1>
    %sub3A = arith.constant 1 : i32
    %sub3A_27 = vector.broadcast %sub3A : i32 to vector<16x256xi32>
    %sub3A_28 = arith.subi %div3A_6, %sub3A_27 : vector<16x256xi32>
    %select_n3A = arith.select %and3A, %sub3A_28, %div3A_6 : vector<16x256xi1>, vector<16x256xi32>
    %eq3A = arith.cmpi eq, %iota3A, %select_n3A : vector<16x256xi32>
    %jit3A_29 = arith.constant 6.250000e-02 : f32
    %jit3A_30 = arith.constant 0.000000e+00 : f32
    %broadcast_in_dim3A = vector.broadcast %jit3A_29 : f32 to vector<16x256xf32>
    %broadcast_in_dim3A_31 = vector.broadcast %jit3A_30 : f32 to vector<16x256xf32>
    %select_n3A_32 = arith.select %eq3A, %broadcast_in_dim3A, %broadcast_in_dim3A_31 : vector<16x256xi1>, vector<16x256xf32>
    %iota3A_33 = tpu.iota {dimensions = array<i32: 0>} : vector<704x44xi32>
    %jit3A_34 = arith.constant 16 : i32
    %div3A_35 = vector.broadcast %jit3A_34 : i32 to vector<704x44xi32>
    %div3A_36 = arith.divsi %iota3A_33, %div3A_35 : vector<704x44xi32>
    %sign3A_37 = arith.constant 0 : i32
    %sign3A_38 = vector.broadcast %sign3A_37 : i32 to vector<704x44xi32>
    %sign3A_39 = arith.cmpi sgt, %iota3A_33, %sign3A_38 : vector<704x44xi32>
    %sign3A_40 = arith.extui %sign3A_39 : vector<704x44xi1> to vector<704x44xi32>
    %sign3A_41 = arith.constant 0 : i32
    %sign3A_42 = vector.broadcast %sign3A_41 : i32 to vector<704x44xi32>
    %sign3A_43 = arith.cmpi slt, %iota3A_33, %sign3A_42 : vector<704x44xi32>
    %sign3A_44 = arith.extui %sign3A_43 : vector<704x44xi1> to vector<704x44xi32>
    %sign3A_45 = arith.subi %sign3A_40, %sign3A_44 : vector<704x44xi32>
    %sign3A_46 = arith.constant 0 : i32
    %sign3A_47 = arith.cmpi sgt, %jit3A_34, %sign3A_46 : i32
    %sign3A_48 = arith.extui %sign3A_47 : i1 to i32
    %sign3A_49 = arith.constant 0 : i32
    %sign3A_50 = arith.cmpi slt, %jit3A_34, %sign3A_49 : i32
    %sign3A_51 = arith.extui %sign3A_50 : i1 to i32
    %sign3A_52 = arith.subi %sign3A_48, %sign3A_51 : i32
    %ne3A_53 = vector.broadcast %sign3A_52 : i32 to vector<704x44xi32>
    %ne3A_54 = arith.cmpi ne, %sign3A_45, %ne3A_53 : vector<704x44xi32>
    %rem3A_55 = vector.broadcast %jit3A_34 : i32 to vector<704x44xi32>
    %rem3A_56 = arith.remsi %iota3A_33, %rem3A_55 : vector<704x44xi32>
    %ne3A_57 = arith.constant 0 : i32
    %ne3A_58 = vector.broadcast %ne3A_57 : i32 to vector<704x44xi32>
    %ne3A_59 = arith.cmpi ne, %rem3A_56, %ne3A_58 : vector<704x44xi32>
    %and3A_60 = arith.andi %ne3A_54, %ne3A_59 : vector<704x44xi1>
    %sub3A_61 = arith.constant 1 : i32
    %sub3A_62 = vector.broadcast %sub3A_61 : i32 to vector<704x44xi32>
    %sub3A_63 = arith.subi %div3A_36, %sub3A_62 : vector<704x44xi32>
    %select_n3A_64 = arith.select %and3A_60, %sub3A_63, %div3A_36 : vector<704x44xi1>, vector<704x44xi32>
    %iota3A_65 = tpu.iota {dimensions = array<i32: 1>} : vector<704x44xi32>
    %eq3A_66 = arith.cmpi eq, %select_n3A_64, %iota3A_65 : vector<704x44xi32>
    %jit3A_67 = arith.constant 6.250000e-02 : f32
    %jit3A_68 = arith.constant 0.000000e+00 : f32
    %broadcast_in_dim3A_69 = vector.broadcast %jit3A_67 : f32 to vector<704x44xf32>
    %broadcast_in_dim3A_70 = vector.broadcast %jit3A_68 : f32 to vector<704x44xf32>
    %select_n3A_71 = arith.select %eq3A_66, %broadcast_in_dim3A_69, %broadcast_in_dim3A_70 : vector<704x44xi1>, vector<704x44xf32>
    %reshape3A = vector.shape_cast %get3A_4 : vector<3x256x704xf32> to vector<768x704xf32>
    %dot_general3A = arith.constant dense<0.000000e+00> : vector<768x44xf32>
    %dot_general3A_72 = tpu.matmul %reshape3A, %select_n3A_71, %dot_general3A {dimension_numbers = #tpu.dot_dimension_numbers<[1], [0], [0], [1], [0, 0, 1, 1], [], []>, transpose_lhs_hint = false} : vector<768x704xf32>, vector<704x44xf32>, vector<768x44xf32> -> vector<768x44xf32>
    %slice3A = vector.extract_strided_slice %dot_general3A_72 {offsets = [0, 0], sizes = [256, 44], strides = [1, 1]} : vector<768x44xf32> to vector<256x44xf32>
    %dot_general3A_73 = arith.constant dense<0.000000e+00> : vector<16x44xf32>
    %dot_general3A_74 = tpu.matmul %select_n3A_32, %slice3A, %dot_general3A_73 {dimension_numbers = #tpu.dot_dimension_numbers<[1], [0], [0], [1], [0, 0, 1, 1], [], []>, transpose_lhs_hint = false} : vector<16x256xf32>, vector<256x44xf32>, vector<16x44xf32> -> vector<16x44xf32>
    %slice3A_75 = vector.extract_strided_slice %dot_general3A_72 {offsets = [256, 0], sizes = [256, 44], strides = [1, 1]} : vector<768x44xf32> to vector<256x44xf32>
    %dot_general3A_76 = arith.constant dense<0.000000e+00> : vector<16x44xf32>
    %dot_general3A_77 = tpu.matmul %select_n3A_32, %slice3A_75, %dot_general3A_76 {dimension_numbers = #tpu.dot_dimension_numbers<[1], [0], [0], [1], [0, 0, 1, 1], [], []>, transpose_lhs_hint = false} : vector<16x256xf32>, vector<256x44xf32>, vector<16x44xf32> -> vector<16x44xf32>
    %slice3A_78 = vector.extract_strided_slice %dot_general3A_72 {offsets = [512, 0], sizes = [256, 44], strides = [1, 1]} : vector<768x44xf32> to vector<256x44xf32>
    %dot_general3A_79 = arith.constant dense<0.000000e+00> : vector<16x44xf32>
    %dot_general3A_80 = tpu.matmul %select_n3A_32, %slice3A_78, %dot_general3A_79 {dimension_numbers = #tpu.dot_dimension_numbers<[1], [0], [0], [1], [0, 0, 1, 1], [], []>, transpose_lhs_hint = false} : vector<16x256xf32>, vector<256x44xf32>, vector<16x44xf32> -> vector<16x44xf32>
    %stack3A = vector.shape_cast %dot_general3A_74 : vector<16x44xf32> to vector<1x16x44xf32>
    %stack3A_81 = vector.shape_cast %dot_general3A_77 : vector<16x44xf32> to vector<1x16x44xf32>
    %stack3A_82 = vector.shape_cast %dot_general3A_80 : vector<16x44xf32> to vector<1x16x44xf32>
    %stack3A_83 = tpu.concatenate %stack3A, %stack3A_81, %stack3A_82 in 0 : vector<1x16x44xf32>, vector<1x16x44xf32>, vector<1x16x44xf32> -> vector<3x16x44xf32>
    %get3A_84 = arith.constant 0 : index
    %get3A_85 = arith.constant 0 : index
    %get3A_86 = vector.load %arg2[%get3A_84, %get3A_85] : memref<124x3xf32, #tpu.memory_space<vmem>>, vector<124x3xf32>
    %slice3A_87 = vector.extract_strided_slice %get3A_86 {offsets = [0, 0], sizes = [124, 1], strides = [1, 1]} : vector<124x3xf32> to vector<124x1xf32>
    %squeeze3A = vector.shape_cast %slice3A_87 : vector<124x1xf32> to vector<124xf32>
    %broadcast_in_dim3A_88 = vector.shape_cast %squeeze3A : vector<124xf32> to vector<124x1x1xf32>
    %slice3A_89 = vector.extract_strided_slice %stack3A_83 {offsets = [0, 0, 0], sizes = [1, 16, 44], strides = [1, 1, 1]} : vector<3x16x44xf32> to vector<1x16x44xf32>
    %squeeze3A_90 = vector.shape_cast %slice3A_89 : vector<1x16x44xf32> to vector<16x44xf32>
    %broadcast_in_dim3A_91 = vector.shape_cast %squeeze3A_90 : vector<16x44xf32> to vector<1x16x44xf32>
    %mul3A = vector.broadcast %broadcast_in_dim3A_88 : vector<124x1x1xf32> to vector<124x16x44xf32>
    %mul3A_92 = vector.broadcast %broadcast_in_dim3A_91 : vector<1x16x44xf32> to vector<124x16x44xf32>
    %mul3A_93 = arith.mulf %mul3A, %mul3A_92 : vector<124x16x44xf32>
    %slice3A_94 = vector.extract_strided_slice %get3A_86 {offsets = [0, 1], sizes = [124, 1], strides = [1, 1]} : vector<124x3xf32> to vector<124x1xf32>
    %squeeze3A_95 = vector.shape_cast %slice3A_94 : vector<124x1xf32> to vector<124xf32>
    %broadcast_in_dim3A_96 = vector.shape_cast %squeeze3A_95 : vector<124xf32> to vector<124x1x1xf32>
    %slice3A_97 = vector.extract_strided_slice %stack3A_83 {offsets = [1, 0, 0], sizes = [1, 16, 44], strides = [1, 1, 1]} : vector<3x16x44xf32> to vector<1x16x44xf32>
    %squeeze3A_98 = vector.shape_cast %slice3A_97 : vector<1x16x44xf32> to vector<16x44xf32>
    %broadcast_in_dim3A_99 = vector.shape_cast %squeeze3A_98 : vector<16x44xf32> to vector<1x16x44xf32>
    %mul3A_100 = vector.broadcast %broadcast_in_dim3A_96 : vector<124x1x1xf32> to vector<124x16x44xf32>
    %mul3A_101 = vector.broadcast %broadcast_in_dim3A_99 : vector<1x16x44xf32> to vector<124x16x44xf32>
    %mul3A_102 = arith.mulf %mul3A_100, %mul3A_101 : vector<124x16x44xf32>
    %add3A = arith.addf %mul3A_93, %mul3A_102 : vector<124x16x44xf32>
    %slice3A_103 = vector.extract_strided_slice %get3A_86 {offsets = [0, 2], sizes = [124, 1], strides = [1, 1]} : vector<124x3xf32> to vector<124x1xf32>
    %squeeze3A_104 = vector.shape_cast %slice3A_103 : vector<124x1xf32> to vector<124xf32>
    %broadcast_in_dim3A_105 = vector.shape_cast %squeeze3A_104 : vector<124xf32> to vector<124x1x1xf32>
    %slice3A_106 = vector.extract_strided_slice %stack3A_83 {offsets = [2, 0, 0], sizes = [1, 16, 44], strides = [1, 1, 1]} : vector<3x16x44xf32> to vector<1x16x44xf32>
    %squeeze3A_107 = vector.shape_cast %slice3A_106 : vector<1x16x44xf32> to vector<16x44xf32>
    %broadcast_in_dim3A_108 = vector.shape_cast %squeeze3A_107 : vector<16x44xf32> to vector<1x16x44xf32>
    %mul3A_109 = vector.broadcast %broadcast_in_dim3A_105 : vector<124x1x1xf32> to vector<124x16x44xf32>
    %mul3A_110 = vector.broadcast %broadcast_in_dim3A_108 : vector<1x16x44xf32> to vector<124x16x44xf32>
    %mul3A_111 = arith.mulf %mul3A_109, %mul3A_110 : vector<124x16x44xf32>
    %add3A_112 = arith.addf %add3A, %mul3A_111 : vector<124x16x44xf32>
    %get3A_113 = arith.constant 0 : index
    %get3A_114 = arith.constant 0 : index
    %get3A_115 = vector.load %arg3[%get3A_113, %get3A_114] : memref<124x1xf32, #tpu.memory_space<vmem>>, vector<124x1xf32>
    %broadcast_in_dim3A_116 = vector.shape_cast %get3A_115 : vector<124x1xf32> to vector<124x1x1xf32>
    %add3A_117 = vector.broadcast %broadcast_in_dim3A_116 : vector<124x1x1xf32> to vector<124x16x44xf32>
    %add3A_118 = arith.addf %add3A_112, %add3A_117 : vector<124x16x44xf32>
    %slice3A_119 = vector.extract_strided_slice %add3A_118 {offsets = [0, 0, 0], sizes = [60, 16, 44], strides = [1, 1, 1]} : vector<124x16x44xf32> to vector<60x16x44xf32>
    %reduce_max3A = arith.constant dense<0xFF800000> : vector<16x44xf32>
    %reduce_max3A_120 = vector.multi_reduction <maximumf>, %slice3A_119, %reduce_max3A [0] : vector<60x16x44xf32> to vector<16x44xf32>
    %broadcast_in_dim3A_121 = vector.shape_cast %reduce_max3A_120 : vector<16x44xf32> to vector<1x16x44xf32>
    %sub3A_122 = vector.broadcast %broadcast_in_dim3A_121 : vector<1x16x44xf32> to vector<60x16x44xf32>
    %sub3A_123 = arith.subf %slice3A_119, %sub3A_122 : vector<60x16x44xf32>
    %exp3A = math.exp %sub3A_123 : vector<60x16x44xf32>
    %reduce_sum3A = arith.constant dense<0.000000e+00> : vector<16x44xf32>
    %reduce_sum3A_124 = vector.multi_reduction <add>, %exp3A, %reduce_sum3A [0] : vector<60x16x44xf32> to vector<16x44xf32>
    %broadcast_in_dim3A_125 = vector.shape_cast %reduce_sum3A_124 : vector<16x44xf32> to vector<1x16x44xf32>
    %div3A_126 = vector.broadcast %broadcast_in_dim3A_125 : vector<1x16x44xf32> to vector<60x16x44xf32>
    %div3A_127 = arith.divf %exp3A, %div3A_126 : vector<60x16x44xf32>
    %slice3A_128 = vector.extract_strided_slice %add3A_118 {offsets = [60, 0, 0], sizes = [64, 16, 44], strides = [1, 1, 1]} : vector<124x16x44xf32> to vector<64x16x44xf32>
    %get3A_129 = arith.constant 0 : index
    %get3A_130 = arith.constant 0 : index
    %get3A_131 = arith.constant 0 : index
    %get3A_132 = arith.constant 0 : index
    %get3A_133 = arith.constant 0 : index
    %get3A_134 = vector.load %arg4[%get3A_129, %get3A_130, %get3A_131, %get3A_132, %get3A_133] : memref<1x3x60x16x44xf32, #tpu.memory_space<vmem>>, vector<1x3x60x16x44xf32>
    %get3A_135 = vector.shape_cast %get3A_134 : vector<1x3x60x16x44xf32> to vector<3x60x16x44xf32>
    %slice3A_136 = vector.extract_strided_slice %get3A_135 {offsets = [0, 0, 0, 0], sizes = [1, 60, 16, 44], strides = [1, 1, 1, 1]} : vector<3x60x16x44xf32> to vector<1x60x16x44xf32>
    %squeeze3A_137 = vector.shape_cast %slice3A_136 : vector<1x60x16x44xf32> to vector<60x16x44xf32>
    %sub3A_138 = arith.constant -5.025000e+01 : f32
    %sub3A_139 = vector.broadcast %sub3A_138 : f32 to vector<60x16x44xf32>
    %sub3A_140 = arith.subf %squeeze3A_137, %sub3A_139 : vector<60x16x44xf32>
    %div3A_141 = arith.constant 5.000000e-01 : f32
    %div3A_142 = vector.broadcast %div3A_141 : f32 to vector<60x16x44xf32>
    %div3A_143 = arith.divf %sub3A_140, %div3A_142 : vector<60x16x44xf32>
    %convert_element_type3A = arith.fptosi %div3A_143 : vector<60x16x44xf32> to vector<60x16x44xi32>
    %slice3A_144 = vector.extract_strided_slice %get3A_135 {offsets = [1, 0, 0, 0], sizes = [1, 60, 16, 44], strides = [1, 1, 1, 1]} : vector<3x60x16x44xf32> to vector<1x60x16x44xf32>
    %squeeze3A_145 = vector.shape_cast %slice3A_144 : vector<1x60x16x44xf32> to vector<60x16x44xf32>
    %sub3A_146 = arith.constant -5.025000e+01 : f32
    %sub3A_147 = vector.broadcast %sub3A_146 : f32 to vector<60x16x44xf32>
    %sub3A_148 = arith.subf %squeeze3A_145, %sub3A_147 : vector<60x16x44xf32>
    %div3A_149 = arith.constant 5.000000e-01 : f32
    %div3A_150 = vector.broadcast %div3A_149 : f32 to vector<60x16x44xf32>
    %div3A_151 = arith.divf %sub3A_148, %div3A_150 : vector<60x16x44xf32>
    %convert_element_type3A_152 = arith.fptosi %div3A_151 : vector<60x16x44xf32> to vector<60x16x44xi32>
    %slice3A_153 = vector.extract_strided_slice %get3A_135 {offsets = [2, 0, 0, 0], sizes = [1, 60, 16, 44], strides = [1, 1, 1, 1]} : vector<3x60x16x44xf32> to vector<1x60x16x44xf32>
    %squeeze3A_154 = vector.shape_cast %slice3A_153 : vector<1x60x16x44xf32> to vector<60x16x44xf32>
    %sub3A_155 = arith.constant -2.000000e+01 : f32
    %sub3A_156 = vector.broadcast %sub3A_155 : f32 to vector<60x16x44xf32>
    %sub3A_157 = arith.subf %squeeze3A_154, %sub3A_156 : vector<60x16x44xf32>
    %div3A_158 = arith.constant 2.000000e+01 : f32
    %div3A_159 = vector.broadcast %div3A_158 : f32 to vector<60x16x44xf32>
    %div3A_160 = arith.divf %sub3A_157, %div3A_159 : vector<60x16x44xf32>
    %convert_element_type3A_161 = arith.fptosi %div3A_160 : vector<60x16x44xf32> to vector<60x16x44xi32>
    %ge3A = arith.constant 0 : i32
    %ge3A_162 = vector.broadcast %ge3A : i32 to vector<60x16x44xi32>
    %ge3A_163 = arith.cmpi sge, %convert_element_type3A, %ge3A_162 : vector<60x16x44xi32>
    %lt3A = arith.constant 200 : i32
    %lt3A_164 = vector.broadcast %lt3A : i32 to vector<60x16x44xi32>
    %lt3A_165 = arith.cmpi slt, %convert_element_type3A, %lt3A_164 : vector<60x16x44xi32>
    %and3A_166 = arith.andi %ge3A_163, %lt3A_165 : vector<60x16x44xi1>
    %ge3A_167 = arith.constant 0 : i32
    %ge3A_168 = vector.broadcast %ge3A_167 : i32 to vector<60x16x44xi32>
    %ge3A_169 = arith.cmpi sge, %convert_element_type3A_152, %ge3A_168 : vector<60x16x44xi32>
    %and3A_170 = arith.andi %and3A_166, %ge3A_169 : vector<60x16x44xi1>
    %lt3A_171 = arith.constant 200 : i32
    %lt3A_172 = vector.broadcast %lt3A_171 : i32 to vector<60x16x44xi32>
    %lt3A_173 = arith.cmpi slt, %convert_element_type3A_152, %lt3A_172 : vector<60x16x44xi32>
    %and3A_174 = arith.andi %and3A_170, %lt3A_173 : vector<60x16x44xi1>
    %ge3A_175 = arith.constant 0 : i32
    %ge3A_176 = vector.broadcast %ge3A_175 : i32 to vector<60x16x44xi32>
    %ge3A_177 = arith.cmpi sge, %convert_element_type3A_161, %ge3A_176 : vector<60x16x44xi32>
    %and3A_178 = arith.andi %and3A_174, %ge3A_177 : vector<60x16x44xi1>
    %lt3A_179 = arith.constant 1 : i32
    %lt3A_180 = vector.broadcast %lt3A_179 : i32 to vector<60x16x44xi32>
    %lt3A_181 = arith.cmpi slt, %convert_element_type3A_161, %lt3A_180 : vector<60x16x44xi32>
    %and3A_182 = arith.andi %and3A_178, %lt3A_181 : vector<60x16x44xi1>
    %mul3A_183 = arith.constant 200 : i32
    %mul3A_184 = vector.broadcast %mul3A_183 : i32 to vector<60x16x44xi32>
    %mul3A_185 = arith.muli %convert_element_type3A, %mul3A_184 : vector<60x16x44xi32>
    %mul3A_186 = arith.constant 1 : i32
    %mul3A_187 = vector.broadcast %mul3A_186 : i32 to vector<60x16x44xi32>
    %mul3A_188 = arith.muli %convert_element_type3A_152, %mul3A_187 : vector<60x16x44xi32>
    %add3A_189 = arith.addi %mul3A_185, %mul3A_188 : vector<60x16x44xi32>
    %add3A_190 = arith.addi %add3A_189, %convert_element_type3A_161 : vector<60x16x44xi32>
    %jit3A_191 = arith.constant 0 : i32
    %broadcast_in_dim3A_192 = vector.broadcast %jit3A_191 : i32 to vector<60x16x44xi32>
    %select_n3A_193 = arith.select %and3A_182, %add3A_190, %broadcast_in_dim3A_192 : vector<60x16x44xi1>, vector<60x16x44xi32>
    %swap3A = arith.constant 0 : index
    %swap3A_194 = arith.constant 0 : index
    %swap3A_195 = arith.constant 0 : index
    %swap3A_196 = arith.constant 0 : index
    %swap3A_197 = vector.load %arg5[%swap3A, %swap3A_194, %swap3A_195, %swap3A_196] : memref<1x60x16x44xf32, #tpu.memory_space<vmem>>, vector<1x60x16x44xf32>
    %swap3A_198 = vector.shape_cast %swap3A_197 : vector<1x60x16x44xf32> to vector<60x16x44xf32>
    %swap3A_199 = vector.shape_cast %div3A_127 : vector<60x16x44xf32> to vector<1x60x16x44xf32>
    tpu.vector_store %arg5[%swap3A, %swap3A_194, %swap3A_195, %swap3A_196], %swap3A_199 {strides = array<i32>} : memref<1x60x16x44xf32, #tpu.memory_space<vmem>>, vector<1x60x16x44xf32>,
    %swap3A_200 = arith.constant 0 : index
    %swap3A_201 = arith.constant 0 : index
    %swap3A_202 = arith.constant 0 : index
    %swap3A_203 = arith.constant 0 : index
    %swap3A_204 = vector.load %arg6[%swap3A_200, %swap3A_201, %swap3A_202, %swap3A_203] : memref<1x64x16x44xf32, #tpu.memory_space<vmem>>, vector<1x64x16x44xf32>
    %swap3A_205 = vector.shape_cast %swap3A_204 : vector<1x64x16x44xf32> to vector<64x16x44xf32>
    %swap3A_206 = vector.shape_cast %slice3A_128 : vector<64x16x44xf32> to vector<1x64x16x44xf32>
    tpu.vector_store %arg6[%swap3A_200, %swap3A_201, %swap3A_202, %swap3A_203], %swap3A_206 {strides = array<i32>} : memref<1x64x16x44xf32, #tpu.memory_space<vmem>>, vector<1x64x16x44xf32>,
    %convert_element_type3A_207 = arith.extui %and3A_182 : vector<60x16x44xi1> to vector<60x16x44xi32>
    %convert_element_type3A_208 = arith.sitofp %convert_element_type3A_207 : vector<60x16x44xi32> to vector<60x16x44xf32>
    %mul3A_209 = arith.mulf %div3A_127, %convert_element_type3A_208 : vector<60x16x44xf32>
    %swap3A_210 = arith.constant 0 : index
    %swap3A_211 = arith.constant 0 : index
    %swap3A_212 = arith.constant 0 : index
    %swap3A_213 = arith.constant 0 : index
    %swap3A_214 = vector.load %arg7[%swap3A_210, %swap3A_211, %swap3A_212, %swap3A_213] : memref<1x60x16x44xf32, #tpu.memory_space<vmem>>, vector<1x60x16x44xf32>
    %swap3A_215 = vector.shape_cast %swap3A_214 : vector<1x60x16x44xf32> to vector<60x16x44xf32>
    %swap3A_216 = vector.shape_cast %mul3A_209 : vector<60x16x44xf32> to vector<1x60x16x44xf32>
    tpu.vector_store %arg7[%swap3A_210, %swap3A_211, %swap3A_212, %swap3A_213], %swap3A_216 {strides = array<i32>} : memref<1x60x16x44xf32, #tpu.memory_space<vmem>>, vector<1x60x16x44xf32>,
    %swap3A_217 = arith.constant 0 : index
    %swap3A_218 = arith.constant 0 : index
    %swap3A_219 = arith.constant 0 : index
    %swap3A_220 = arith.constant 0 : index
    %swap3A_221 = vector.load %arg8[%swap3A_217, %swap3A_218, %swap3A_219, %swap3A_220] : memref<1x60x16x44xi32, #tpu.memory_space<vmem>>, vector<1x60x16x44xi32>
    %swap3A_222 = vector.shape_cast %swap3A_221 : vector<1x60x16x44xi32> to vector<60x16x44xi32>
    %swap3A_223 = vector.shape_cast %select_n3A_193 : vector<60x16x44xi32> to vector<1x60x16x44xi32>
    tpu.vector_store %arg8[%swap3A_217, %swap3A_218, %swap3A_219, %swap3A_220], %swap3A_223 {strides = array<i32>} : memref<1x60x16x44xi32, #tpu.memory_space<vmem>>, vector<1x60x16x44xi32>,
    return
  }
  func.func @transform_0(%arg0: i32) -> (i32, i32, i32, i32) {
    %c0_i32 = arith.constant 0 : i32
    %c0_i32_0 = arith.constant 0 : i32
    %c0_i32_1 = arith.constant 0 : i32
    %c0_i32_2 = arith.constant 0 : i32
    return %arg0, %c0_i32, %c0_i32_0, %c0_i32_1 : i32, i32, i32, i32
  }
  func.func @transform_1(%arg0: i32) -> (i32, i32) {
    %c0_i32 = arith.constant 0 : i32
    %c0_i32_0 = arith.constant 0 : i32
    %c0_i32_1 = arith.constant 0 : i32
    return %c0_i32, %c0_i32_0 : i32, i32
  }
  func.func @transform_2(%arg0: i32) -> (i32, i32) {
    %c0_i32 = arith.constant 0 : i32
    %c0_i32_0 = arith.constant 0 : i32
    %c0_i32_1 = arith.constant 0 : i32
    return %c0_i32, %c0_i32_0 : i32, i32
  }
  func.func @transform_3(%arg0: i32) -> (i32, i32, i32, i32, i32) {
    %c0_i32 = arith.constant 0 : i32
    %c0_i32_0 = arith.constant 0 : i32
    %c0_i32_1 = arith.constant 0 : i32
    %c0_i32_2 = arith.constant 0 : i32
    %c0_i32_3 = arith.constant 0 : i32
    return %arg0, %c0_i32, %c0_i32_0, %c0_i32_1, %c0_i32_2 : i32, i32, i32, i32, i32
  }
  func.func @transform_4(%arg0: i32) -> (i32, i32, i32, i32) {
    %c0_i32 = arith.constant 0 : i32
    %c0_i32_0 = arith.constant 0 : i32
    %c0_i32_1 = arith.constant 0 : i32
    %c0_i32_2 = arith.constant 0 : i32
    return %arg0, %c0_i32, %c0_i32_0, %c0_i32_1 : i32, i32, i32, i32
  }
  func.func @transform_5(%arg0: i32) -> (i32, i32, i32, i32) {
    %c0_i32 = arith.constant 0 : i32
    %c0_i32_0 = arith.constant 0 : i32
    %c0_i32_1 = arith.constant 0 : i32
    %c0_i32_2 = arith.constant 0 : i32
    return %arg0, %c0_i32, %c0_i32_0, %c0_i32_1 : i32, i32, i32, i32
  }
  func.func @transform_6(%arg0: i32) -> (i32, i32, i32, i32) {
    %c0_i32 = arith.constant 0 : i32
    %c0_i32_0 = arith.constant 0 : i32
    %c0_i32_1 = arith.constant 0 : i32
    %c0_i32_2 = arith.constant 0 : i32
    return %arg0, %c0_i32, %c0_i32_0, %c0_i32_1 : i32, i32, i32, i32
  }
  func.func @transform_7(%arg0: i32) -> (i32, i32, i32, i32) {
    %c0_i32 = arith.constant 0 : i32
    %c0_i32_0 = arith.constant 0 : i32
    %c0_i32_1 = arith.constant 0 : i32
    %c0_i32_2 = arith.constant 0 : i32
    return %arg0, %c0_i32, %c0_i32_0, %c0_i32_1 : i32, i32, i32, i32
  }
}

</mosaic_0001>

<sc_bundles>
// kernel: kernel.4.cloned.1.call-start
scs
__scs_entry_jumppad:
0x0: {  	(pc) =	sbr.rel $0x88, $3  }
0x1: {  	(tag) =	ssettag $0x0;
	lr =	simm.s32 $0x1  }
0x2: {  	[smem:$0x3F9A] =	sst lr;
	_ =	strace $0xD0000000  }
0x3: {  	_ = 	snop  }
0x4: {  	_ = 	snop  }
0x5: {  	_ = 	snop  }
0x6: {  	_ = 	snop  }
0x7: {  	_ = 	snop  }
__scs_overlays_trampoline_lowered:
0x8: {  	[smem:$0x3FA9] =	sst s0  }
0x9: {  	[smem:$0x3FAA] =	sst s1  }
0xa: {  	[smem:$0x3FAB] =	sst s2  }
0xb: {  	[smem:$0x3FAC] =	sst s3  }
0xc: {  	[smem:$0x3FAD] =	sst s4  }
0xd: {  	[smem:$0x3FAE] =	sst s5  }
0xe: {  	[smem:$0x3FAF] =	sst s6  }
0xf: {  	[smem:$0x3FB0] =	sst s7  }
0x10: {  	[smem:$0x3FB1] =	sst s8  }
0x11: {  	[smem:$0x3FB2] =	sst s9;
	s0 =	simm.s32 @!p0 $0x0  }
0x12: {  	s1 =	sld [smem:$0x3F98];
	s0 =	simm.s32 @p0 $0x1  }
0x13: {  	[smem:$0x3FB3] =	sst s0;
	s0 =	simm.s32 @!p1 $0x0  }
0x14: {  	s2 =	sld [smem:$0x3F97];
	s0 =	simm.s32 @p1 $0x1  }
0x15: {  	[smem:$0x3FB4] =	sst s0;
	s0 =	simm.s32 @!p2 $0x0  }
0x16: {  	s3 =	sld [smem:$0x3FDB];
	s0 =	simm.s32 @p2 $0x1  }
0x17: {  	s4 =	simm.s32 $0x1BF5;
	[smem:$0x3FB6] =	sst s0  }
0x18: {  	s0 =	sld [smem:$0x3F99];
	_ =	swait.ge [sflag:s4], $0x0  }
0x19: {  	s7 =	sld [smem:$0x3F9A]  }
0x1a: {  	s8 =	sadd.s32 $0xFFFFE003, lr  }
0x1b: {  	s9 =	sadd.s32 $0xFFFFFEF7, lr;
	s5 =	simm.s32 $0xFFFFFFFF;
	p2 =	slt.u32 s8, $0xFFFFF086  }
0x1c: {  	p1 =	slt.u32 s9, $0xF7A;
	s5 =	simm.s32 @!p2 $0x0  }
0x1d: {  	s5 =	simm.s32 @p1 $0x1;
	p0 =	seq.s32 s7, s2  }
0x1e: {  	s7 =	smul.u32 @!p0 $0xF7A, s2;
	p2 =	seq.s32 @!p0 s5, $0x0  }
0x1f: {  	s9 =	smul.u32 $0xF7A, s1;
	s8 =	simm.s32 @!p0 $0x1BF5;
	p2 =	por !p2, p0  }
0x20: {  	[sflag:s8] =	ssyncset.s32 @!p0 $0xFFFFF086;
	s6 =	sadd.s32 @!p0 s3, s7;
	s7 =	simm.s32 @!p0 $0x108  }
0x21: {  	s3 =	sadd.s32 s3, s9;
	s6 =	sadd.s32 @!p0 $0x88, s6;
	s7 =	simm.s32 @p2 $0x1082  }
0x22: {  	[simem:s7], [sflag:s8] =	dma.local @!p0 [hbm:s6], $0xF7A  }
0x23: {  	s9 =	sor.u32 $0xD0000000, s2;
	s6 =	simm.s32 $0x108;
	_ =	swait.ge @!p0 [sflag:s8], $0x0  }
0x24: {  	s3 =	sadd.s32 $0x88, s3;
	s6 =	simm.s32 @!p1 $0x1082;
	[sflag:s4] =	ssyncset.s32 $0xFFFFF086  }
0x25: {  	[simem:s6], [sflag:s4] =	dma.local [hbm:s3], $0xF7A  }
0x26: {  	[smem:$0x3F9A] =	sst s1;
	(tag) =	ssettag s2;
	_ =	strace s9  }
0x27: {  	s1 =	sld [smem:$0x3FAA]  }
0x28: {  	s2 =	sld [smem:$0x3FAB]  }
0x29: {  	s4 =	sld [smem:$0x3FAD]  }
0x2a: {  	p0 =	seq.s32 s5, $0x0;
	s5 =	sld [smem:$0x3FAE]  }
0x2b: {  	s6 =	sld [smem:$0x3FAF]  }
0x2c: {  	s7 =	sld [smem:$0x3FB0]  }
0x2d: {  	s3 =	simm.s32 $0x108;
	s8 =	sld [smem:$0x3FB1]  }
0x2e: {  	s3 =	simm.s32 @!p0 $0x1082;
	s9 =	sld [smem:$0x3FB2]  }
0x2f: {  	lr =	sadd.s32 s0, s3;
	s0 =	sld [smem:$0x3FA9]  }
0x30: {  	s3 =	sld [smem:$0x3FAC]  }
0x31: {  	[smem:$0x3FB5] =	sst s10  }
0x32: {  	s10 =	sld [smem:$0x3FB3];
	_ =	sdelay $0x3  }
0x33: {  	p0 =	seq.s32 s10, $0x1;
	s10 =	sld [smem:$0x3FB5];
	_ =	sdelay $0x3  }
0x34: {  	[smem:$0x3FB5] =	sst s10  }
0x35: {  	s10 =	sld [smem:$0x3FB4];
	_ =	sdelay $0x3  }
0x36: {  	p1 =	seq.s32 s10, $0x1;
	s10 =	sld [smem:$0x3FB5];
	_ =	sdelay $0x3  }
0x37: {  	[smem:$0x3FB5] =	sst s10  }
0x38: {  	s10 =	sld [smem:$0x3FB6]  }
0x39: {  	_ = 	snop;
	(pc) =	sbr.ind lr, $3  }
0x3a: {  	_ = 	snop  }
0x3b: {  	_ = 	snop  }
0x3c: {  	p2 =	seq.s32 s10, $0x1;
	s10 =	sld [smem:$0x3FB5]  }
0x3d: {  	_ =	shalt  }
0x3e: {  	_ =	shalt  }
0x3f: {  	_ =	shalt  }
0x40: {  	_ =	shalt  }
0x41: {  	_ =	shalt  }
0x42: {  	_ =	shalt  }
0x43: {  	_ =	shalt  }
0x44: {  	_ =	shalt  }
0x45: {  	_ =	shalt  }
0x46: {  	_ =	shalt  }
0x47: {  	_ =	shalt  }
0x48: {  	_ =	shalt  }
0x49: {  	_ =	shalt  }
0x4a: {  	_ =	shalt  }
0x4b: {  	_ =	shalt  }
0x4c: {  	_ =	shalt  }
0x4d: {  	_ =	shalt  }
0x4e: {  	_ =	shalt  }
0x4f: {  	_ =	shalt  }
0x50: {  	_ =	shalt  }
0x51: {  	_ =	shalt  }
0x52: {  	_ =	shalt  }
0x53: {  	_ =	shalt  }
0x54: {  	_ =	shalt  }
0x55: {  	_ =	shalt  }
0x56: {  	_ =	shalt  }
0x57: {  	_ =	shalt  }
0x58: {  	_ =	shalt  }
0x59: {  	_ =	shalt  }
0x5a: {  	_ =	shalt  }
0x5b: {  	_ =	shalt  }
0x5c: {  	_ =	shalt  }
0x5d: {  	_ =	shalt  }
0x5e: {  	_ =	shalt  }
0x5f: {  	_ =	shalt  }
0x60: {  	_ =	shalt  }
0x61: {  	_ =	shalt  }
0x62: {  	_ =	shalt  }
0x63: {  	_ =	shalt  }
0x64: {  	_ =	shalt  }
0x65: {  	_ =	shalt  }
0x66: {  	_ =	shalt  }
0x67: {  	_ =	shalt  }
0x68: {  	_ =	shalt  }
0x69: {  	_ =	shalt  }
0x6a: {  	_ =	shalt  }
0x6b: {  	_ =	shalt  }
0x6c: {  	_ =	shalt  }
0x6d: {  	_ =	shalt  }
0x6e: {  	_ =	shalt  }
0x6f: {  	_ =	shalt  }
0x70: {  	_ =	shalt  }
0x71: {  	_ =	shalt  }
0x72: {  	_ =	shalt  }
0x73: {  	_ =	shalt  }
0x74: {  	_ =	shalt  }
0x75: {  	_ =	shalt  }
0x76: {  	_ =	shalt  }
0x77: {  	_ =	shalt  }
0x78: {  	_ =	shalt  }
0x79: {  	_ =	shalt  }
0x7a: {  	_ =	shalt  }
0x7b: {  	_ =	shalt  }
0x7c: {  	_ =	shalt  }
0x7d: {  	_ =	shalt  }
0x7e: {  	_ =	shalt  }
0x7f: {  	_ =	shalt  }
0x80: {  	_ =	shalt  }
0x81: {  	_ =	shalt  }
0x82: {  	_ =	shalt  }
0x83: {  	_ =	shalt  }
0x84: {  	_ =	shalt  }
0x85: {  	_ =	shalt  }
0x86: {  	_ =	shalt  }
0x87: {  	_ =	shalt  }
.Lfunc_end0:
.L_simem_size_0:
called_computation_lowered:
.L_overlay_start_0:
0x88: {  	s2 =	sld [smem:$0x3FD9]  }
0x89: {  	s3 =	sld [smem:$0x3FFE];
	_ =	sdelay $0x1  }
0x8a: {  	s1 =	srdreg.scid  }
0x8b: {  	s0 =	sand.u32 $0x1, s1  }
0x8c: {  	s14 =	sshll.u32 s0, $0xA;
	s2 =	sadd.s32 s3, s2  }
0x8d: {  	s2 =	sadd.s32 s2, s14  }
0x8e: {  	[smem:$0x3FC1] =	sst s2  }
0x8f: {  	_ = 	snop  }
0x90: {  	s2 =	sld [smem:$0x3FD0];
	_ =	sdelay $0x2  }
0x91: {  	s15 =	simm.s32 $0xA;
	s4 =	simm.s32 $0x10  }
0x92: {  	[smem:s4], [sflag:s15] =	dma.local [hbm:s2], $0x1  }
0x93: {  	_ =	swait.eq [sflag:s15], $0x1  }
0x94: {  	[sflag:s15] =	ssyncset.done $0x0  }
0x95: {  	[sflag:s15] =	ssyncadd.s32 $0xFFFFFFFF  }
0x96: {  	s16 =	sld [smem:$0x10];
	(tm) =	ssettm $0x1  }
0x97: {  	s17 =	sld [smem:$0x3FFB];
	_ =	sdelay $0x3  }
0x98: {  	_ =	strace s17  }
0x99: {  	s3 =	sld [smem:$0x3FFC];
	_ =	sdelay $0x3  }
0x9a: {  	_ =	strace s3  }
0x9b: {  	s3 =	sld [smem:$0x3FFD];
	_ =	sdelay $0x3  }
0x9c: {  	_ =	strace s3  }
0x9d: {  	_ =	strace $0x8FFFFFFF  }
0x9e: {  	s18 =	sld [smem:$0x3FDB];
	_ =	sdelay $0x1  }
0x9f: {  	s19 =	simm.s32 $_scs_section_size  }
0xa0: {  	s5 =	simm.s32 $_size__tile_overlayer_lowered;
	s6 =	simm.s32 $_tile_overlayer_lowered  }
0xa1: {  	s22 =	simm.s32 $0x1BFF;
	s21 =	sshll.u32 s6, $0x1;
	s3 =	sadd.s32 s19, s18  }
0xa2: {  	s7 =	simm.s32 $0x0;
	s20 =	sshll.u32 s5, $0x1;
	s5 =	sadd.s32 s21, s3  }
0xa3: {  	[timem:s7], [sflag:s22] =	dma.local [hbm:s5], s20  }
0xa4: {  	_ =	swait.ge [sflag:s22], s20  }
0xa5: {  	s4 =	ssub.s32 $0x0, s20;
	[sflag:s22] =	ssyncset.done $0x0  }
0xa6: {  	[sflag:s22] =	ssyncadd.s32 s4;
	_ =	sdelay $0x1  }
0xa7: {  	s23 =	simm.s32 $0x1B8B  }
0xa8: {  	_ =	swait.ge [sflag:s23], $0x1  }
0xa9: {  	[sflag:s23] =	ssyncset.done $0x0  }
0xaa: {  	s25 =	simm.s32 $0x1B8E;
	s24 =	sld [smem:$0x3FFE];
	[sflag:s23] =	ssyncadd.s32 $0xFFFFFFFF  }
0xab: {  	s26 =	simm.s32 $execute0_lowered;
	[smem:$0x3FD2] =	sst s25  }
0xac: {  	s5 =	sshll.u32 s26, $0x1;
	_ =	strace $0x80000046;
	[dreg:$0x1] =	wrdreg $0xFFFFFFFF  }
0xad: {  	s28 =	simm.s32 $_size_execute0_lowered;
	s3 =	sadd.s32 s3, s5;
	[dreg:$0x0] =	wrdreg $0x0  }
0xae: {  	s5 =	sshll.u32 s28, $0x1;
	[dreg:$0x2] =	wrdreg s3  }
0xaf: {  	[dreg:$0x3] =	wrdreg s5  }
0xb0: {  	[dreg:$0x4] =	wrdreg $0xC0  }
0xb1: {  	_ =	task [dreg:s7], $0x5FFFF  }
0xb2: {  	[dreg:$0x1] =	wrdreg $0xFFFFFFFF  }
0xb3: {  	[dreg:$0x0] =	wrdreg $0x60  }
0xb4: {  	[dreg:$0x2] =	wrdreg s24  }
0xb5: {  	[dreg:$0x3] =	wrdreg s16  }
0xb6: {  	[dreg:$0x4] =	wrdreg $0xB4800  }
0xb7: {  	[dreg:$0x5] =	wrdreg $0x9  }
0xb8: {  	_ =	task.clear_ibuf [dreg:s7], $0x6FFFF;
	_ =	strace $0x90000046  }
0xb9: {  	s29 =	simm.s32 $0x9;
	_ =	strace $0x80000048  }
0xba: {  	_ =	swait.ge [sflag:s29], $0x1  }
0xbb: {  	[sflag:s29] =	ssyncadd.s32 $0xFFFFFFFF  }
0xbc: {  	_ =	strace $0x90000048  }
0xbd: {  	_ =	sfence  }
0xbe: {  	s30 =	sld [smem:$0x0];
	_ =	sdelay $0x2  }
0xbf: {  	s31 =	sshll.u32 s1, $0xD;
	s1 =	sshrl.u32 s1, $0x2  }
0xc0: {  	s3 =	sand.u32 $0x4000, s31;
	s1 =	sadd.s32 s1, s30  }
0xc1: {  	s0 =	sor.u32 s3, s0;
	s1 =	sshll.u32 s1, $0x11  }
0xc2: {  	s0 =	sor.u32 s1, s0  }
0xc3: {  	s0 =	sadd.s32 $0x8F2B, s0  }
0xc4: {  	[sflag:s0] =	ssyncadd.remote.s32 $0x1  }
0xc5: {  	_ =	sfence.sel $0xFFFF  }
0xc6: {  	[dreg:$0x0] =	wrdreg $0xFFFFFFFF;
	(pc) =	sbr.abs _section_cstart, $3  }
0xc7: {  	[dreg:$0x1] =	wrdreg $0xFFFFFFFF  }
0xc8: {  	_ =	task.clear_ibuf [dreg:s7], $0x2FFFF;
	_ =	strace $0x9FFFFFFF  }
0xc9: {  	(tm) =	ssettm $0x7FFFFFFF  }
tec
execute0_lowered:
.L_overlay_start_1:
0x0: {  	(tag) =	ssettag $0x1  }
0x1: {  	s7 =	rddreg [dreg:$0x0]  }
0x2: {  	s1 =	rddreg [dreg:$0x1]  }
0x3: {  	s2 =	rddreg [dreg:$0x2]  }
0x4: {  	s4 =	srdreg.scid;
	s0 =	rddreg [dreg:$0x3];
	s3 =	simm.s32 $0x0  }
0x5: {  	s14 =	simm.s32 $0x2400;
	s17 =	simm.s32 $0x80;
	s18 =	simm.s32 $0xA400  }
0x6: {  	s19 =	simm.s32 $0xA480;
	s20 =	simm.s32 $0x0;
	s9 =	sand.u32 $0x1, s4  }
0x7: {  	[smem:$0x7FF] =	sst s3;
	s5 =	sadd.s32 $0x4000, s7;
	s6 =	sadd.s32 $0x26800, s7  }
0x8: {  	s4 =	stileid.u32;
	s7 =	sadd.s32 $0x14000, s7;
	s8 =	ssub.s32 $0x2, s9  }
0x9: {  	_ =	strace $0x80000047;
	s30 =	sshll.u32 s4, $0xB;
	s31 =	smul.u32 $0x13A00, s4  }
0xa: {  	s12 =	sshll.u32 s9, $0xF;
	s13 =	smul.u32 $0x274000, s9;
	s15 =	sshll.u32 s4, $0x6  }
0xb: {  	s9 =	sshll.u32 s9, $0x5;
	s10 =	sshrl.u32 s8, $0x1;
	s15 =	sor.u32 $0x1C01, s15  }
0xc: {  	s11 =	ssub.s32 s8, s10;
	s8 =	sadd.s32 s5, s30;
	s16 =	sadd.s32 s31, s2  }
0xd: {  	s10 =	sadd.s32 s13, s31;
	s13 =	simm.s32 $0x1;
	s8 =	sadd.s32 s12, s8  }
0xe: {  	s11 =	smax.u32 s11, $0x1;
	s12 =	simm.s32 $0x6400;
	s16 =	sshrl.u32 s16, $0x3  }
.LBB2_1:
0xf: {  	[tilespmem:s12], [sflag:$0x1] =	stream.linear.gather [hbm4b:s7+s3], $0x4000, $0x38;
	[tilespmem:$0x1EE80] =	vst v63  }
0x10: {  	_ =	swait.ge [sflag:s13], $0x4000  }
0x11: {  	[sflag:s13] =	ssyncset.done $0x0  }
0x12: {  	[sflag:s13] =	ssyncadd.s32 $0xFFFFC000  }
0x13: {  	[tilespmem:s14], [sflag:$0x1] =	stream.linear.gather [hbm4b:s8+s3], $0x4000, $0x38;
	[tilespmem:$0x1EE80] =	vst v63  }
0x14: {  	_ =	swait.ge [sflag:s13], $0x4000  }
0x15: {  	[sflag:s13] =	ssyncset.done $0x0  }
0x16: {  	p1 =	por $0x1, $0x1;
	s21 =	simm.s32 $0x0;
	[sflag:s13] =	ssyncadd.s32 $0xFFFFC000  }
.LBB2_2:
0x17: {  	s22 =	sshll.u32 s21, $0x4  }
0x18: {  	s22 =	sor.u32 s22, s9  }
0x19: {  	s22 =	sor.u32 s4, s22  }
0x1a: {  	s22 =	smul.u32 $0x2400, s22  }
0x1b: {  	[spmem:s16], [sflag:s15] =	dma.local [hbm:s6], $0x2740  }
0x1c: {  	_ =	swait.ge [sflag:s13], $0x2740;
	s22 =	sshrl.u32 s22, $0x3  }
0x1d: {  	[sflag:s13] =	ssyncset.done $0x0;
	s22 =	sadd.s32 s5, s22  }
0x1e: {  	[sflag:s13] =	ssyncadd.s32 $0xFFFFD8C0;
	s23 =	sadd.s32 $0x10800, s22;
	s22 =	simm.s32 $0x0  }
0x1f: {  	[tilespmem:s22], [sflag:$0x1] =	stream.linear.gather [hbm4b:s23+s22], $0x2400, $0x38;
	[tilespmem:$0x1EE80] =	vst v63  }
0x20: {  	_ =	swait.ge [sflag:s13], $0x2400  }
0x21: {  	[sflag:s13] =	ssyncset.done $0x0  }
0x22: {  	p0 =	por p1, p1;
	[sflag:s13] =	ssyncadd.s32 $0xFFFFDC00  }
0x23: {  	s24 =	simm.s32 $0x6400;
	s23 =	simm.s32 $0x2400;
	[bflag:$0x0] =	sbarrier.arrive $0xFFFF  }
.LBB2_3:
0x24: {  	v0 =	vmov s23;
	_ =	sdelay $0x2  }
0x25: {  	s25 =	simm.s32 $0xA580;
	v1 =	vmov s24;
	s26 =	simm.s32 $0x0  }
.LBB2_4:
0x26: {  	s28 =	sshra.s32 s26, $0x2  }
0x27: {  	v2 =	vld.idx.msk [tilespmem:v0+s28+$0x0 ss:$0x1], $0xffff;
	_ =	sdelay $0x4  }
0x28: {  	v3 =	vshrl.u32 v2, $0x10  }
0x29: {  	[tilespmem:s28+$0xA400] =	vst v3  }
0x2a: {  	v3 =	vld.idx.msk [tilespmem:v1+s28+$0x0 ss:$0x1], $0xffff;
	_ =	sdelay $0x4  }
0x2b: {  	(v2sf) =	vpush v2, $0x0;
	v3 =	vshll.u32 v3, $0x5  }
0x2c: {  	(v2sf) =	vpush v3, $0x0;
	_ =	sdelay $0xd  }
0x2d: {  	s31 =	spop (v2sf)  }
0x2e: {  	s29 =	spop (v2sf)  }
0x2f: {  	v4 =	vld [tilespmem:s29+$0x0];
	_ =	sdelay $0x1  }
0x30: {  	s28 =	sand.u32 $0xFFFF, s31  }
0x31: {  	(v2sf) =	vpush v2, $0x1;
	s28 =	scvt.s32.f32 s28  }
0x32: {  	(v2sf) =	vpush v3, $0x1  }
0x33: {  	s28 =	smul.f32 $1.455213730e-11, s28;
	v4 =	vcvt.s32.f32 v4;
	_ =	sdelay $0x1  }
0x34: {  	v4 =	vmul.f32 s28, v4;
	_ =	sdelay $0x1  }
0x35: {  	[tilespmem:s25+$0xFFFFFF00] =	vst v4  }
0x36: {  	v4 =	vld [tilespmem:s29+$0x10];
	_ =	sdelay $0x4  }
0x37: {  	v4 =	vcvt.s32.f32 v4;
	_ =	sdelay $0x1  }
0x38: {  	v4 =	vmul.f32 s28, v4  }
0x39: {  	s30 =	spop (v2sf)  }
0x3a: {  	s31 =	spop (v2sf);
	[tilespmem:s25+$0xFFFFFF10] =	vst v4  }
0x3b: {  	v4 =	vld [tilespmem:s31+$0x0];
	_ =	sdelay $0x1  }
0x3c: {  	s28 =	sand.u32 $0xFFFF, s30  }
0x3d: {  	(v2sf) =	vpush v2, $0x2;
	s28 =	scvt.s32.f32 s28  }
0x3e: {  	(v2sf) =	vpush v3, $0x2  }
0x3f: {  	s28 =	smul.f32 $1.455213730e-11, s28;
	v4 =	vcvt.s32.f32 v4;
	_ =	sdelay $0x1  }
0x40: {  	v4 =	vmul.f32 s28, v4;
	_ =	sdelay $0x1  }
0x41: {  	[tilespmem:s25+$0xFFFFFF20] =	vst v4  }
0x42: {  	v4 =	vld [tilespmem:s31+$0x10];
	_ =	sdelay $0x4  }
0x43: {  	v4 =	vcvt.s32.f32 v4;
	_ =	sdelay $0x1  }
0x44: {  	v4 =	vmul.f32 s28, v4  }
0x45: {  	s30 =	spop (v2sf)  }
0x46: {  	s31 =	spop (v2sf);
	[tilespmem:s25+$0xFFFFFF30] =	vst v4  }
0x47: {  	v4 =	vld [tilespmem:s31+$0x0];
	_ =	sdelay $0x1  }
0x48: {  	s28 =	sand.u32 $0xFFFF, s30  }
0x49: {  	(v2sf) =	vpush v2, $0x3;
	s28 =	scvt.s32.f32 s28  }
0x4a: {  	(v2sf) =	vpush v3, $0x3  }
0x4b: {  	s28 =	smul.f32 $1.455213730e-11, s28;
	v4 =	vcvt.s32.f32 v4;
	_ =	sdelay $0x1  }
0x4c: {  	v4 =	vmul.f32 s28, v4;
	_ =	sdelay $0x1  }
0x4d: {  	[tilespmem:s25+$0xFFFFFF40] =	vst v4  }
0x4e: {  	v4 =	vld [tilespmem:s31+$0x10];
	_ =	sdelay $0x4  }
0x4f: {  	v4 =	vcvt.s32.f32 v4;
	_ =	sdelay $0x1  }
0x50: {  	v4 =	vmul.f32 s28, v4  }
0x51: {  	s30 =	spop (v2sf)  }
0x52: {  	s31 =	spop (v2sf);
	[tilespmem:s25+$0xFFFFFF50] =	vst v4  }
0x53: {  	v4 =	vld [tilespmem:s31+$0x0];
	_ =	sdelay $0x1  }
0x54: {  	s28 =	sand.u32 $0xFFFF, s30  }
0x55: {  	(v2sf) =	vpush v2, $0x4;
	s28 =	scvt.s32.f32 s28  }
0x56: {  	(v2sf) =	vpush v3, $0x4  }
0x57: {  	s28 =	smul.f32 $1.455213730e-11, s28;
	v4 =	vcvt.s32.f32 v4;
	_ =	sdelay $0x1  }
0x58: {  	v4 =	vmul.f32 s28, v4;
	_ =	sdelay $0x1  }
0x59: {  	[tilespmem:s25+$0xFFFFFF60] =	vst v4  }
0x5a: {  	v4 =	vld [tilespmem:s31+$0x10];
	_ =	sdelay $0x4  }
0x5b: {  	v4 =	vcvt.s32.f32 v4;
	_ =	sdelay $0x1  }
0x5c: {  	v4 =	vmul.f32 s28, v4  }
0x5d: {  	s30 =	spop (v2sf)  }
0x5e: {  	s31 =	spop (v2sf);
	[tilespmem:s25+$0xFFFFFF70] =	vst v4  }
0x5f: {  	v4 =	vld [tilespmem:s31+$0x0];
	_ =	sdelay $0x1  }
0x60: {  	s28 =	sand.u32 $0xFFFF, s30  }
0x61: {  	(v2sf) =	vpush v2, $0x5;
	s28 =	scvt.s32.f32 s28  }
0x62: {  	(v2sf) =	vpush v3, $0x5  }
0x63: {  	s28 =	smul.f32 $1.455213730e-11, s28;
	v4 =	vcvt.s32.f32 v4;
	_ =	sdelay $0x1  }
0x64: {  	v4 =	vmul.f32 s28, v4;
	_ =	sdelay $0x1  }
0x65: {  	[tilespmem:s25+$0xFFFFFF80] =	vst v4  }
0x66: {  	v4 =	vld [tilespmem:s31+$0x10];
	_ =	sdelay $0x4  }
0x67: {  	v4 =	vcvt.s32.f32 v4;
	_ =	sdelay $0x1  }
0x68: {  	v4 =	vmul.f32 s28, v4  }
0x69: {  	s30 =	spop (v2sf)  }
0x6a: {  	s31 =	spop (v2sf);
	[tilespmem:s25+$0xFFFFFF90] =	vst v4  }
0x6b: {  	v4 =	vld [tilespmem:s31+$0x0];
	_ =	sdelay $0x1  }
0x6c: {  	s28 =	sand.u32 $0xFFFF, s30  }
0x6d: {  	(v2sf) =	vpush v2, $0x6;
	s28 =	scvt.s32.f32 s28  }
0x6e: {  	(v2sf) =	vpush v3, $0x6  }
0x6f: {  	s28 =	smul.f32 $1.455213730e-11, s28;
	v4 =	vcvt.s32.f32 v4;
	_ =	sdelay $0x1  }
0x70: {  	v4 =	vmul.f32 s28, v4;
	_ =	sdelay $0x1  }
0x71: {  	[tilespmem:s25+$0xFFFFFFA0] =	vst v4  }
0x72: {  	v4 =	vld [tilespmem:s31+$0x10];
	_ =	sdelay $0x4  }
0x73: {  	v4 =	vcvt.s32.f32 v4;
	_ =	sdelay $0x1  }
0x74: {  	v4 =	vmul.f32 s28, v4  }
0x75: {  	s30 =	spop (v2sf)  }
0x76: {  	s31 =	spop (v2sf);
	[tilespmem:s25+$0xFFFFFFB0] =	vst v4  }
0x77: {  	v4 =	vld [tilespmem:s31+$0x0];
	_ =	sdelay $0x1  }
0x78: {  	s28 =	sand.u32 $0xFFFF, s30  }
0x79: {  	(v2sf) =	vpush v2, $0x7;
	s28 =	scvt.s32.f32 s28  }
0x7a: {  	(v2sf) =	vpush v3, $0x7  }
0x7b: {  	s28 =	smul.f32 $1.455213730e-11, s28;
	v4 =	vcvt.s32.f32 v4;
	_ =	sdelay $0x1  }
0x7c: {  	v4 =	vmul.f32 s28, v4;
	_ =	sdelay $0x1  }
0x7d: {  	[tilespmem:s25+$0xFFFFFFC0] =	vst v4  }
0x7e: {  	v4 =	vld [tilespmem:s31+$0x10];
	_ =	sdelay $0x4  }
0x7f: {  	v4 =	vcvt.s32.f32 v4;
	_ =	sdelay $0x1  }
0x80: {  	v4 =	vmul.f32 s28, v4  }
0x81: {  	s30 =	spop (v2sf)  }
0x82: {  	s31 =	spop (v2sf);
	[tilespmem:s25+$0xFFFFFFD0] =	vst v4  }
0x83: {  	v4 =	vld [tilespmem:s31+$0x0];
	_ =	sdelay $0x1  }
0x84: {  	s28 =	sand.u32 $0xFFFF, s30  }
0x85: {  	(v2sf) =	vpush v2, $0x8;
	s28 =	scvt.s32.f32 s28  }
0x86: {  	(v2sf) =	vpush v3, $0x8  }
0x87: {  	s28 =	smul.f32 $1.455213730e-11, s28;
	v4 =	vcvt.s32.f32 v4;
	_ =	sdelay $0x1  }
0x88: {  	v4 =	vmul.f32 s28, v4;
	_ =	sdelay $0x1  }
0x89: {  	[tilespmem:s25+$0xFFFFFFE0] =	vst v4  }
0x8a: {  	v4 =	vld [tilespmem:s31+$0x10];
	_ =	sdelay $0x4  }
0x8b: {  	v4 =	vcvt.s32.f32 v4;
	_ =	sdelay $0x1  }
0x8c: {  	v4 =	vmul.f32 s28, v4  }
0x8d: {  	s30 =	spop (v2sf)  }
0x8e: {  	s31 =	spop (v2sf);
	[tilespmem:s25+$0xFFFFFFF0] =	vst v4  }
0x8f: {  	v4 =	vld [tilespmem:s31+$0x0];
	_ =	sdelay $0x1  }
0x90: {  	s28 =	sand.u32 $0xFFFF, s30  }
0x91: {  	(v2sf) =	vpush v2, $0x9;
	s28 =	scvt.s32.f32 s28  }
0x92: {  	(v2sf) =	vpush v3, $0x9  }
0x93: {  	s28 =	smul.f32 $1.455213730e-11, s28;
	v4 =	vcvt.s32.f32 v4;
	_ =	sdelay $0x1  }
0x94: {  	v4 =	vmul.f32 s28, v4;
	_ =	sdelay $0x1  }
0x95: {  	[tilespmem:s25+$0x0] =	vst v4  }
0x96: {  	v4 =	vld [tilespmem:s31+$0x10];
	_ =	sdelay $0x4  }
0x97: {  	v4 =	vcvt.s32.f32 v4;
	_ =	sdelay $0x1  }
0x98: {  	v4 =	vmul.f32 s28, v4  }
0x99: {  	s30 =	spop (v2sf)  }
0x9a: {  	s31 =	spop (v2sf);
	[tilespmem:s25+$0x10] =	vst v4  }
0x9b: {  	v4 =	vld [tilespmem:s31+$0x0];
	_ =	sdelay $0x1  }
0x9c: {  	s28 =	sand.u32 $0xFFFF, s30  }
0x9d: {  	(v2sf) =	vpush v2, $0xA;
	s28 =	scvt.s32.f32 s28  }
0x9e: {  	(v2sf) =	vpush v3, $0xA  }
0x9f: {  	s28 =	smul.f32 $1.455213730e-11, s28;
	v4 =	vcvt.s32.f32 v4;
	_ =	sdelay $0x1  }
0xa0: {  	v4 =	vmul.f32 s28, v4;
	_ =	sdelay $0x1  }
0xa1: {  	[tilespmem:s25+$0x20] =	vst v4  }
0xa2: {  	v4 =	vld [tilespmem:s31+$0x10];
	_ =	sdelay $0x4  }
0xa3: {  	v4 =	vcvt.s32.f32 v4;
	_ =	sdelay $0x1  }
0xa4: {  	v4 =	vmul.f32 s28, v4  }
0xa5: {  	s30 =	spop (v2sf)  }
0xa6: {  	s31 =	spop (v2sf);
	[tilespmem:s25+$0x30] =	vst v4  }
0xa7: {  	v4 =	vld [tilespmem:s31+$0x0];
	_ =	sdelay $0x1  }
0xa8: {  	s28 =	sand.u32 $0xFFFF, s30  }
0xa9: {  	(v2sf) =	vpush v2, $0xB;
	s28 =	scvt.s32.f32 s28  }
0xaa: {  	(v2sf) =	vpush v3, $0xB  }
0xab: {  	s28 =	smul.f32 $1.455213730e-11, s28;
	v4 =	vcvt.s32.f32 v4;
	_ =	sdelay $0x1  }
0xac: {  	v4 =	vmul.f32 s28, v4;
	_ =	sdelay $0x1  }
0xad: {  	[tilespmem:s25+$0x40] =	vst v4  }
0xae: {  	v4 =	vld [tilespmem:s31+$0x10];
	_ =	sdelay $0x4  }
0xaf: {  	v4 =	vcvt.s32.f32 v4;
	_ =	sdelay $0x1  }
0xb0: {  	v4 =	vmul.f32 s28, v4  }
0xb1: {  	s30 =	spop (v2sf)  }
0xb2: {  	s31 =	spop (v2sf);
	[tilespmem:s25+$0x50] =	vst v4  }
0xb3: {  	v4 =	vld [tilespmem:s31+$0x0];
	_ =	sdelay $0x1  }
0xb4: {  	s28 =	sand.u32 $0xFFFF, s30  }
0xb5: {  	(v2sf) =	vpush v2, $0xC;
	s28 =	scvt.s32.f32 s28  }
0xb6: {  	(v2sf) =	vpush v3, $0xC  }
0xb7: {  	s28 =	smul.f32 $1.455213730e-11, s28;
	v4 =	vcvt.s32.f32 v4;
	_ =	sdelay $0x1  }
0xb8: {  	v4 =	vmul.f32 s28, v4;
	_ =	sdelay $0x1  }
0xb9: {  	[tilespmem:s25+$0x60] =	vst v4  }
0xba: {  	v4 =	vld [tilespmem:s31+$0x10];
	_ =	sdelay $0x4  }
0xbb: {  	v4 =	vcvt.s32.f32 v4;
	_ =	sdelay $0x1  }
0xbc: {  	v4 =	vmul.f32 s28, v4  }
0xbd: {  	s30 =	spop (v2sf)  }
0xbe: {  	s31 =	spop (v2sf);
	[tilespmem:s25+$0x70] =	vst v4  }
0xbf: {  	v4 =	vld [tilespmem:s31+$0x0];
	_ =	sdelay $0x1  }
0xc0: {  	s28 =	sand.u32 $0xFFFF, s30  }
0xc1: {  	(v2sf) =	vpush v2, $0xD;
	s28 =	scvt.s32.f32 s28  }
0xc2: {  	(v2sf) =	vpush v3, $0xD  }
0xc3: {  	s28 =	smul.f32 $1.455213730e-11, s28;
	v4 =	vcvt.s32.f32 v4;
	_ =	sdelay $0x1  }
0xc4: {  	v4 =	vmul.f32 s28, v4;
	_ =	sdelay $0x1  }
0xc5: {  	[tilespmem:s25+$0x80] =	vst v4  }
0xc6: {  	v4 =	vld [tilespmem:s31+$0x10];
	_ =	sdelay $0x4  }
0xc7: {  	v4 =	vcvt.s32.f32 v4;
	_ =	sdelay $0x1  }
0xc8: {  	v4 =	vmul.f32 s28, v4  }
0xc9: {  	s30 =	spop (v2sf)  }
0xca: {  	s31 =	spop (v2sf);
	[tilespmem:s25+$0x90] =	vst v4  }
0xcb: {  	v4 =	vld [tilespmem:s31+$0x0];
	_ =	sdelay $0x1  }
0xcc: {  	s28 =	sand.u32 $0xFFFF, s30  }
0xcd: {  	(v2sf) =	vpush v2, $0xE;
	s28 =	scvt.s32.f32 s28  }
0xce: {  	(v2sf) =	vpush v3, $0xE  }
0xcf: {  	s28 =	smul.f32 $1.455213730e-11, s28;
	v4 =	vcvt.s32.f32 v4;
	_ =	sdelay $0x1  }
0xd0: {  	v4 =	vmul.f32 s28, v4;
	_ =	sdelay $0x1  }
0xd1: {  	[tilespmem:s25+$0xA0] =	vst v4  }
0xd2: {  	v4 =	vld [tilespmem:s31+$0x10];
	_ =	sdelay $0x4  }
0xd3: {  	v4 =	vcvt.s32.f32 v4;
	_ =	sdelay $0x1  }
0xd4: {  	v4 =	vmul.f32 s28, v4  }
0xd5: {  	s30 =	spop (v2sf)  }
0xd6: {  	s31 =	spop (v2sf);
	[tilespmem:s25+$0xB0] =	vst v4  }
0xd7: {  	v4 =	vld [tilespmem:s31+$0x0];
	_ =	sdelay $0x1  }
0xd8: {  	s28 =	sand.u32 $0xFFFF, s30  }
0xd9: {  	(v2sf) =	vpush v2, $0xF;
	s28 =	scvt.s32.f32 s28  }
0xda: {  	(v2sf) =	vpush v3, $0xF  }
0xdb: {  	s28 =	smul.f32 $1.455213730e-11, s28;
	v2 =	vcvt.s32.f32 v4;
	_ =	sdelay $0x1  }
0xdc: {  	v2 =	vmul.f32 s28, v2;
	_ =	sdelay $0x1  }
0xdd: {  	[tilespmem:s25+$0xC0] =	vst v2  }
0xde: {  	v2 =	vld [tilespmem:s31+$0x10];
	_ =	sdelay $0x4  }
0xdf: {  	v2 =	vcvt.s32.f32 v2;
	_ =	sdelay $0x1  }
0xe0: {  	v2 =	vmul.f32 s28, v2  }
0xe1: {  	s30 =	spop (v2sf)  }
0xe2: {  	s31 =	spop (v2sf);
	[tilespmem:s25+$0xD0] =	vst v2  }
0xe3: {  	v2 =	vld [tilespmem:s31+$0x0];
	_ =	sdelay $0x1  }
0xe4: {  	s28 =	sand.u32 $0xFFFF, s30  }
0xe5: {  	s28 =	scvt.s32.f32 s28;
	_ =	sdelay $0x1  }
0xe6: {  	s28 =	smul.f32 $1.455213730e-11, s28;
	v2 =	vcvt.s32.f32 v2;
	_ =	sdelay $0x1  }
0xe7: {  	v2 =	vmul.f32 s28, v2;
	_ =	sdelay $0x1  }
0xe8: {  	[tilespmem:s25+$0xE0] =	vst v2  }
0xe9: {  	v2 =	vld [tilespmem:s31+$0x10];
	_ =	sdelay $0x3  }
0xea: {  	p1 =	sne.s32 s26, $0x1C0  }
.Ltmp0:
0xeb: {  	v2 =	vcvt.s32.f32 v2;
	(pc) =	sbr.rel @p1 .LBB2_4-.Ltmp0, $3  }
0xec: {  	_ = 	snop  }
0xed: {  	v2 =	vmul.f32 s28, v2;
	_ =	sdelay $0x1  }
0xee: {  	s26 =	sadd.s32 $0x40, s26;
	[tilespmem:s25+$0xF0] =	vst v2;
	s25 =	sadd.s32 $0x200, s25  }
0xef: {  	s22 =	sadd.s32 $0x1, s22  }
0xf0: {  	p1 =	sne.s32 s22, $0x7C  }
.Ltmp1:
0xf1: {  	_ = 	snop;
	(pc) =	sbr.rel @p1 .LBB2_3-.Ltmp1, $4  }
0xf2: {  	[spmem:s2] =	stream.indirect.scatter.add.f32 [tilespmem:s19], [sflag:$0x1], $0x20, s18, s17, $0xb8;
	[tilespmem:$0x1EE80] =	vst v63  }
0xf3: {  	_ =	swait.ge [sflag:s13], $0x1000  }
0xf4: {  	[sflag:s13] =	ssyncset.done $0x0  }
0xf5: {  	s23 =	sadd.s32 $0x80, s23;
	s24 =	sadd.s32 $0x80, s24;
	[sflag:s13] =	ssyncadd.s32 $0xFFFFF000  }
0xf6: {  	s21 =	smul.u32 $0x13A000, s21;
	_ =	sdelay $0x1  }
0xf7: {  	s21 =	sadd.s32 s21, s10  }
0xf8: {  	s21 =	sshrl.u32 s21, $0x3  }
0xf9: {  	[bflag:$0x0] =	sbarrier.arrive $0xFFFF;
	s21 =	sadd.s32 s1, s21  }
0xfa: {  	[hbm:s21], [sflag:s15] =	dma.local [spmem:s16], $0x2740  }
0xfb: {  	s21 =	simm.s32 $0x1  }
.Ltmp2:
0xfc: {  	_ =	swait.ge [sflag:s21], $0x2740;
	(pc) =	sbr.rel @p0 .LBB2_2-.Ltmp2, $4  }
0xfd: {  	[sflag:s21] =	ssyncset.done $0x0  }
0xfe: {  	[sflag:s21] =	ssyncadd.s32 $0xFFFFD8C0  }
0xff: {  	[bflag:$0x0] =	sbarrier.arrive $0xFFFF  }
0x100: {  	p1 =	por $0x0, $0x0  }
0x101: {  	s20 =	sadd.s32 $0x1, s20  }
0x102: {  	p0 =	sne.s32 s20, s11  }
.Ltmp3:
0x103: {  	_ = 	snop;
	(pc) =	sbr.rel @p0 .LBB2_1-.Ltmp3, $1  }
0x104: {  	_ =	sdelay $0x3  }
0x105: {  	_ =	sfence.sel $0x180000  }
0x106: {  	[bflag:$0x0] =	sbarrier.arrive $0xFFFF  }
0x107: {  	p0 =	sne.s32 s4, $0x0;
	_ =	strace $0x90000047  }
0x108: {  	s0 =	sadd.s32 @!p0 $0x100000, s0;
	[bflag:$0x2] =	sbarrier.arrive $0xFFFF  }
0x109: {  	[sflag:s0] =	ssyncadd.tile.s32 @!p0 $0x1;
	_ =	shalt  }
.Lfunc_end2:
_tile_overlayer_lowered:
.L_overlay_start_2:
0x10a: {  	(tag) =	ssettag $0x2  }
0x10b: {  	s0 =	rddreg [dreg:$0x0];
	s2 =	stileid.u32  }
0x10c: {  	s1 =	rddreg [dreg:$0x1];
	p0 =	sne.s32 s2, $0x0  }
0x10d: {  	s3 =	rddreg [dreg:$0x2];
	[bflag:$0x3] =	sbarrier.arrive $0xFFFF;
	s2 =	simm.s32 @!p0 $0x1C01  }
0x10e: {  	[timem:s3], [sflag:s2] =	dma.local @!p0 [hbm:s0], s1  }
0x10f: {  	s0 =	simm.s32 @!p0 $0x1  }
0x110: {  	_ =	swait.ge @!p0 [sflag:s0], s1  }
0x111: {  	s1 =	ssub.s32 @!p0 $0x0, s1;
	[sflag:s0] =	ssyncset.done @!p0 $0x0  }
0x112: {  	[sflag:s0] =	ssyncadd.s32 @!p0 s1  }
0x113: {  	[bflag:$0x3] =	sbarrier.arrive $0xFFFF  }
0x114: {  	_ =	shalt  }

</sc_bundles>
